<compile_context>
chip_gen: v7x
topology: tpu7x:2x2x1
jax: 0.10.2.dev20260603
libtpu: 0.0.44.dev20260713+nightly
codegen_flags: <defaults>
</compile_context>

<pallas_src>
import functools

import jax
import jax.numpy as jnp
from jax import lax
from jax.experimental import pallas as pl
from jax.experimental.pallas import tpu as pltpu
from jax.experimental.pallas import tpu_sc as plsc

N = 10000
NP = 10240
RBLK = 1024
NBLK = NP // RBLK
D = 128
NC = 2
NS = 16
NW = NC * NS
CHUNK = 128
N0_CHUNKS = 80
N1_CHUNKS = 80
WIN = 40
ACC_N = 10240
PAD_DST = N


def _mesh():
    return plsc.VectorSubcoreMesh(
        core_axis_name="c", subcore_axis_name="s", num_cores=NC, num_subcores=NS
    )


@functools.lru_cache(maxsize=None)
def _deg_kernel(nmax):
    @functools.partial(
        pl.kernel,
        out_type=jax.ShapeDtypeStruct((NC, ACC_N), jnp.float32),
        mesh=_mesh(),
        scratch_types=[
            pltpu.VMEM((nmax, CHUNK), jnp.int32),
            pltpu.VMEM((CHUNK,), jnp.float32),
            pltpu.VMEM((ACC_N // NS,), jnp.float32),
            pltpu.VMEM_SHARED((ACC_N,), jnp.float32),
        ],
    )
    def deg_k(dsts_hbm, ones_hbm, zeros_hbm, out_hbm, dst_v, ones_v, z_v, acc_sh):
        cid = lax.axis_index("c")
        sid = lax.axis_index("s")
        wid = cid * NS + sid
        nch = jnp.where(cid == 0, N0_CHUNKS, N1_CHUNKS)
        seg = ACC_N // NS
        pltpu.sync_copy(dsts_hbm.at[wid], dst_v)
        pltpu.sync_copy(ones_hbm, ones_v)
        pltpu.sync_copy(zeros_hbm, z_v)
        pltpu.sync_copy(z_v, acc_sh.at[pl.ds(sid * seg, seg)])
        plsc.subcore_barrier()

        def body(j, c):
            pltpu.sync_copy(ones_v, acc_sh.at[dst_v.at[j]], add=True)
            return c

        lax.fori_loop(0, nch, body, 0)
        plsc.subcore_barrier()
        pltpu.sync_copy(
            acc_sh.at[pl.ds(sid * seg, seg)], out_hbm.at[cid, pl.ds(sid * seg, seg)]
        )

    return deg_k


@functools.lru_cache(maxsize=None)
def _agg_kernel(nmax):
    @functools.partial(
        pl.kernel,
        out_type=jax.ShapeDtypeStruct((NC, ACC_N, D), jnp.float32),
        mesh=_mesh(),
        scratch_types=[
            pltpu.VMEM((WIN, CHUNK), jnp.int32),
            pltpu.VMEM((WIN, CHUNK), jnp.int32),
            pltpu.VMEM((2, CHUNK, D), jnp.float32),
            pltpu.VMEM_SHARED((ACC_N, D), jnp.float32),
            pltpu.SemaphoreType.DMA,
        ],
    )
    def agg_k(table_hbm, srcs_hbm, dsts_hbm, zacc_hbm, out_hbm,
              src_v, dst_v, rows_v, acc_sh, sem):
        cid = lax.axis_index("c")
        sid = lax.axis_index("s")
        wid = cid * NS + sid
        seg = ACC_N // NS
        with jax.named_scope("agg_setup"):
            pltpu.sync_copy(zacc_hbm, acc_sh.at[pl.ds(sid * seg, seg)])
            plsc.subcore_barrier()

        def win_body(w, cw):
            pltpu.sync_copy(srcs_hbm.at[wid, pl.ds(w * WIN, WIN)], src_v)
            pltpu.sync_copy(dsts_hbm.at[wid, pl.ds(w * WIN, WIN)], dst_v)

            def body(j, c):
                @pl.when(j < WIN)
                def _():
                    pltpu.async_copy(
                        table_hbm.at[src_v.at[j]], rows_v.at[j % 2], sem
                    )

                @pl.when(j > 0)
                def _():
                    jm = j - 1
                    pltpu.make_async_copy(
                        table_hbm.at[src_v.at[jm]], rows_v.at[jm % 2], sem
                    ).wait()
                    pltpu.sync_copy(
                        rows_v.at[jm % 2], acc_sh.at[dst_v.at[jm]], add=True
                    )

                return c

            lax.fori_loop(0, WIN + 1, body, 0)
            return cw

        with jax.named_scope("agg_loop"):
            lax.fori_loop(0, N0_CHUNKS // WIN, win_body, 0)
            plsc.subcore_barrier()
        with jax.named_scope("agg_writeback"):
            pltpu.sync_copy(
                acc_sh.at[pl.ds(sid * seg, seg)],
                out_hbm.at[cid, pl.ds(sid * seg, seg)],
            )

    return agg_k


def _dcol(drows):
    eye = (
        lax.broadcasted_iota(jnp.int32, (128, 128), 0)
        == lax.broadcasted_iota(jnp.int32, (128, 128), 1)
    ).astype(jnp.float32)
    cols = [
        jnp.sum(eye * drows[r : r + 1, :], axis=1, keepdims=True) for r in range(8)
    ]
    return jnp.concatenate(cols, axis=0)


def _tc1(xp, w1, degp):
    def body(x_ref, w_ref, deg_ref, h_ref, dinv_ref):
        drows = lax.rsqrt(deg_ref[0] + deg_ref[1] + 1.0)
        dinv_ref[...] = drows
        h = jnp.dot(x_ref[...], w_ref[...], preferred_element_type=jnp.float32)
        h_ref[...] = h * _dcol(drows)

    return pl.pallas_call(
        body,
        grid=(NBLK,),
        in_specs=[
            pl.BlockSpec((RBLK, D), lambda i: (i, 0)),
            pl.BlockSpec((D, D), lambda i: (0, 0)),
            pl.BlockSpec((NC, 8, 128), lambda i: (0, i, 0)),
        ],
        out_specs=(
            pl.BlockSpec((RBLK, D), lambda i: (i, 0)),
            pl.BlockSpec((8, 128), lambda i: (i, 0)),
        ),
        out_shape=(
            jax.ShapeDtypeStruct((NP, D), jnp.float32),
            jax.ShapeDtypeStruct((NP // 128, 128), jnp.float32),
        ),
    )(xp, w1, degp)


def _tc2(a, h1, dinvp, b1, w2):
    def body(a_ref, h1_ref, dinv_ref, b_ref, w_ref, h2_ref):
        dc = _dcol(dinv_ref[...])
        z = dc * (a_ref[0] + a_ref[1] + h1_ref[...]) + b_ref[...]
        z = jnp.maximum(z, 0.0)
        h2_ref[...] = (
            jnp.dot(z, w_ref[...], preferred_element_type=jnp.float32) * dc
        )

    return pl.pallas_call(
        body,
        grid=(NBLK,),
        in_specs=[
            pl.BlockSpec((NC, RBLK, D), lambda i: (0, i, 0)),
            pl.BlockSpec((RBLK, D), lambda i: (i, 0)),
            pl.BlockSpec((8, 128), lambda i: (i, 0)),
            pl.BlockSpec((1, D), lambda i: (0, 0)),
            pl.BlockSpec((D, D), lambda i: (0, 0)),
        ],
        out_specs=pl.BlockSpec((RBLK, D), lambda i: (i, 0)),
        out_shape=jax.ShapeDtypeStruct((NP, D), jnp.float32),
    )(a, h1, dinvp, b1, w2)


def _tc3(a, h2, dinvp, b2):
    def body(a_ref, h2_ref, dinv_ref, b_ref, o_ref):
        dc = _dcol(dinv_ref[...])
        o_ref[...] = dc * (a_ref[0] + a_ref[1] + h2_ref[...]) + b_ref[...]

    return pl.pallas_call(
        body,
        grid=(NBLK,),
        in_specs=[
            pl.BlockSpec((NC, RBLK, D), lambda i: (0, i, 0)),
            pl.BlockSpec((RBLK, D), lambda i: (i, 0)),
            pl.BlockSpec((8, 128), lambda i: (i, 0)),
            pl.BlockSpec((1, D), lambda i: (0, 0)),
        ],
        out_specs=pl.BlockSpec((RBLK, D), lambda i: (i, 0)),
        out_shape=jax.ShapeDtypeStruct((N, D), jnp.float32),
    )(a, h2, dinvp, b2)


def kernel(x, edge_index, W1, b1, W2, b2):
    E = edge_index.shape[1]
    tot_chunks = NS * (N0_CHUNKS + N1_CHUNKS)
    assert tot_chunks * CHUNK >= E
    pad = tot_chunks * CHUNK - E

    pad_src = jnp.arange(pad, dtype=jnp.int32) % N
    pad_dst = N + (jnp.arange(pad, dtype=jnp.int32) % (ACC_N - N))
    ep = jnp.concatenate(
        [edge_index, jnp.stack([pad_src, pad_dst])], axis=1
    ).reshape(2, NW, N0_CHUNKS, CHUNK)
    src = ep[0]
    dst = ep[1]
    ones = jnp.ones((CHUNK,), jnp.float32)
    zseg = jnp.zeros((ACC_N // NS,), jnp.float32)
    zacc = jnp.zeros((ACC_N // NS, D), jnp.float32)
    xp = jnp.pad(x, ((0, NP - N), (0, 0)))

    deg_parts = _deg_kernel(N0_CHUNKS)(dst, ones, zseg)
    degp = deg_parts.reshape(NC, ACC_N // 128, 128)
    h1, dinvp = _tc1(xp, W1, degp)

    agg = _agg_kernel(N0_CHUNKS)
    a = agg(h1, src, dst, zacc)
    h2 = _tc2(a, h1, dinvp, jnp.reshape(b1, (1, D)), W2)
    a2 = agg(h2, src, dst, zacc)
    return _tc3(a2, h2, dinvp, jnp.reshape(b2, (1, D)))

# --- scband reference (transcript-rebuilt; emitter-appended) ---
"""Pipeline reference for scband-gcn-33165737460096 (READ-ONLY COPY).

The authoritative reference and input builder live on the scoring server;
editing this copy changes nothing except your own understanding.
"""

import jax, jax.numpy as jnp
import numpy as np

N_NODES = 10000
D_IN = 128
D_HID = 128
D_OUT = 128


def _gcn_conv(x, edge_index, W, b, num_nodes):
    # PyG-style GCNConv: add self-loops, symmetric normalization, scatter-add aggregation.
    src = edge_index[0]
    dst = edge_index[1]
    loop = jnp.arange(num_nodes, dtype=src.dtype)
    src = jnp.concatenate([src, loop])
    dst = jnp.concatenate([dst, loop])
    deg = jnp.zeros((num_nodes,), dtype=x.dtype).at[dst].add(1.0)
    dinv = jnp.where(deg > 0, jax.lax.rsqrt(deg), 0.0)
    norm = dinv[src] * dinv[dst]
    h = x @ W
    msg = h[src] * norm[:, None]
    out = jax.ops.segment_sum(msg, dst, num_segments=num_nodes)
    return out + b


def setup_inputs(seed: int = 0) -> dict:
    key = jax.random.key(seed)
    k1, k2, k3, k4, k5, k6 = jax.random.split(key, 6)
    x = jax.random.normal(k1, (N_NODES, D_IN), dtype=jnp.float32)
    edge_index = jax.random.randint(k2, (2, 320000), 0, N_NODES, dtype=jnp.int32)
    s1 = 1.0 / np.sqrt(D_IN)
    s2 = 1.0 / np.sqrt(D_HID)
    W1 = jax.random.uniform(k3, (D_IN, D_HID), dtype=jnp.float32, minval=-s1, maxval=s1)
    b1 = jnp.zeros((D_HID,), dtype=jnp.float32)
    W2 = jax.random.uniform(k4, (D_HID, D_OUT), dtype=jnp.float32, minval=-s2, maxval=s2)
    b2 = jnp.zeros((D_OUT,), dtype=jnp.float32)
    return {"x": x, "edge_index": edge_index, "W1": W1, "b1": b1, "W2": W2, "b2": b2}


def reference(x, edge_index, W1, b1, W2, b2):
    num_nodes = x.shape[0]
    h = _gcn_conv(x, edge_index, W1, b1, num_nodes)
    h = jax.nn.relu(h)  # dropout=0.0 -> no-op
    out = _gcn_conv(h, edge_index, W2, b2, num_nodes)
    return out

if __name__ == "__main__":
    import jax
    _d = setup_inputs()
    print(jax.jit(kernel)(*tuple(_d.values())))

</pallas_src>

<mosaic_0001>
#map = affine_map<(d0, d1) -> (0, 0, 0)>
#map1 = affine_map<(d0, d1) -> (0)>
#map2 = affine_map<(d0, d1) -> (0, 0)>
module attributes {stable_mosaic.version = 14 : i64} {
  func.func @deg_k(%arg0: i32, %arg1: i32, %arg2: memref<32x80x128xi32, #tpu.memory_space<hbm>>, %arg3: memref<128xf32, #tpu.memory_space<hbm>>, %arg4: memref<640xf32, #tpu.memory_space<hbm>>, %arg5: memref<2x10240xf32, #tpu.memory_space<hbm>>, %arg6: memref<80x128xi32, #tpu.memory_space<vmem>>, %arg7: memref<128xf32, #tpu.memory_space<vmem>>, %arg8: memref<640xf32, #tpu.memory_space<vmem>>, %arg9: memref<10240xf32, #tpu.memory_space<vmem_shared>>) attributes {dimension_semantics = [#tpu.dimension_semantics<core_parallel>, #tpu.dimension_semantics<subcore_parallel>], iteration_bounds = array<i64: 2, 16>, scalar_prefetch = 0 : i64, scratch_operands = 4 : i64, tpu.core_type = #tpu.core_type<sc_vector_subcore>, window_params = [{transform_indices = #map}, {transform_indices = #map1}, {transform_indices = #map1}, {transform_indices = #map2}]} {
    %mul3A = arith.constant 16 : i32
    %mul3A_0 = arith.muli %arg0, %mul3A : i32
    %add3A = arith.addi %mul3A_0, %arg1 : i32
    %eq3A = arith.constant 0 : i32
    %eq3A_1 = arith.cmpi eq, %arg0, %eq3A : i32
    %jit3A = arith.constant 80 : i32
    %jit3A_2 = arith.constant 80 : i32
    %select_n3A = arith.select %eq3A_1, %jit3A, %jit3A_2 : i32
    "tpu.region"() ({
      %run_scoped3A = tpu.sem_alloc : memref<!tpu.dma_semaphore, #tpu.memory_space<semaphore_mem>>
      %dma_start3A = arith.constant 0 : i32
      %dma_start3A_19 = arith.constant 0 : i32
      %dma_start3A_20 = tpu.memref_slice %arg2[%add3A, %dma_start3A, %dma_start3A_19] : memref<32x80x128xi32, #tpu.memory_space<hbm>> -> memref<1x80x128xi32, #tpu.memory_space<hbm>>
      %dma_start3A_21 = tpu.memref_squeeze %dma_start3A_20 : memref<1x80x128xi32, #tpu.memory_space<hbm>> -> memref<80x128xi32, #tpu.memory_space<hbm>>
      %dma_start3A_22 = arith.constant 0 : i32
      %dma_start3A_23 = arith.constant 0 : i32
      %dma_start3A_24 = tpu.memref_slice %arg2[%add3A, %dma_start3A_22, %dma_start3A_23] : memref<32x80x128xi32, #tpu.memory_space<hbm>> -> memref<1x80x128xi32, #tpu.memory_space<hbm>>
      %dma_start3A_25 = tpu.memref_squeeze %dma_start3A_24 : memref<1x80x128xi32, #tpu.memory_space<hbm>> -> memref<80x128xi32, #tpu.memory_space<hbm>>
      tpu.enqueue_dma source(%dma_start3A_25 : memref<80x128xi32, #tpu.memory_space<hbm>>) target(%arg6 : memref<80x128xi32, #tpu.memory_space<vmem>>) target_semaphore(%run_scoped3A : memref<!tpu.dma_semaphore, #tpu.memory_space<semaphore_mem>>)
      %dma_wait3A = arith.constant 0 : i32
      %dma_wait3A_26 = arith.constant 0 : i32
      %dma_wait3A_27 = tpu.memref_slice %arg2[%add3A, %dma_wait3A, %dma_wait3A_26] : memref<32x80x128xi32, #tpu.memory_space<hbm>> -> memref<1x80x128xi32, #tpu.memory_space<hbm>>
      %dma_wait3A_28 = tpu.memref_squeeze %dma_wait3A_27 : memref<1x80x128xi32, #tpu.memory_space<hbm>> -> memref<80x128xi32, #tpu.memory_space<hbm>>
      %dma_wait3A_29 = arith.constant 0 : i32
      %dma_wait3A_30 = arith.constant 0 : i32
      %dma_wait3A_31 = tpu.memref_slice %arg2[%add3A, %dma_wait3A_29, %dma_wait3A_30] : memref<32x80x128xi32, #tpu.memory_space<hbm>> -> memref<1x80x128xi32, #tpu.memory_space<hbm>>
      %dma_wait3A_32 = tpu.memref_squeeze %dma_wait3A_31 : memref<1x80x128xi32, #tpu.memory_space<hbm>> -> memref<80x128xi32, #tpu.memory_space<hbm>>
      tpu.wait_dma2 semaphore(%run_scoped3A : memref<!tpu.dma_semaphore, #tpu.memory_space<semaphore_mem>>) src(%dma_wait3A_32 : memref<80x128xi32, #tpu.memory_space<hbm>>) dst(%arg6 : memref<80x128xi32, #tpu.memory_space<vmem>>)
      tpu.yield
    }) : () -> ()
    "tpu.region"() ({
      %run_scoped3A = tpu.sem_alloc : memref<!tpu.dma_semaphore, #tpu.memory_space<semaphore_mem>>
      tpu.enqueue_dma source(%arg3 : memref<128xf32, #tpu.memory_space<hbm>>) target(%arg7 : memref<128xf32, #tpu.memory_space<vmem>>) target_semaphore(%run_scoped3A : memref<!tpu.dma_semaphore, #tpu.memory_space<semaphore_mem>>)
      tpu.wait_dma2 semaphore(%run_scoped3A : memref<!tpu.dma_semaphore, #tpu.memory_space<semaphore_mem>>) src(%arg3 : memref<128xf32, #tpu.memory_space<hbm>>) dst(%arg7 : memref<128xf32, #tpu.memory_space<vmem>>)
      tpu.yield
    }) : () -> ()
    "tpu.region"() ({
      %run_scoped3A = tpu.sem_alloc : memref<!tpu.dma_semaphore, #tpu.memory_space<semaphore_mem>>
      tpu.enqueue_dma source(%arg4 : memref<640xf32, #tpu.memory_space<hbm>>) target(%arg8 : memref<640xf32, #tpu.memory_space<vmem>>) target_semaphore(%run_scoped3A : memref<!tpu.dma_semaphore, #tpu.memory_space<semaphore_mem>>)
      tpu.wait_dma2 semaphore(%run_scoped3A : memref<!tpu.dma_semaphore, #tpu.memory_space<semaphore_mem>>) src(%arg4 : memref<640xf32, #tpu.memory_space<hbm>>) dst(%arg8 : memref<640xf32, #tpu.memory_space<vmem>>)
      tpu.yield
    }) : () -> ()
    %mul3A_3 = arith.constant 640 : i32
    %mul3A_4 = arith.muli %arg1, %mul3A_3 : i32
    "tpu.region"() ({
      %run_scoped3A = tpu.sem_alloc : memref<!tpu.dma_semaphore, #tpu.memory_space<semaphore_mem>>
      %dma_start3A = tpu.memref_slice %arg9[%mul3A_4] : memref<10240xf32, #tpu.memory_space<vmem_shared>> -> memref<640xf32, #tpu.memory_space<vmem_shared>>
      %dma_start3A_19 = tpu.memref_slice %arg9[%mul3A_4] : memref<10240xf32, #tpu.memory_space<vmem_shared>> -> memref<640xf32, #tpu.memory_space<vmem_shared>>
      tpu.enqueue_dma source(%arg8 : memref<640xf32, #tpu.memory_space<vmem>>) target(%dma_start3A_19 : memref<640xf32, #tpu.memory_space<vmem_shared>>) target_semaphore(%run_scoped3A : memref<!tpu.dma_semaphore, #tpu.memory_space<semaphore_mem>>)
      %dma_wait3A = tpu.memref_slice %arg9[%mul3A_4] : memref<10240xf32, #tpu.memory_space<vmem_shared>> -> memref<640xf32, #tpu.memory_space<vmem_shared>>
      %dma_wait3A_20 = tpu.memref_slice %arg9[%mul3A_4] : memref<10240xf32, #tpu.memory_space<vmem_shared>> -> memref<640xf32, #tpu.memory_space<vmem_shared>>
      tpu.wait_dma2 semaphore(%run_scoped3A : memref<!tpu.dma_semaphore, #tpu.memory_space<semaphore_mem>>) src(%arg8 : memref<640xf32, #tpu.memory_space<vmem>>) dst(%dma_wait3A_20 : memref<640xf32, #tpu.memory_space<vmem_shared>>)
      tpu.yield
    }) : () -> ()
    %barrier3A = arith.constant 0 : index
    tpu.barrier barrier_id(%barrier3A)
    %while3A = arith.constant 0 : i32
    %while3A_5 = arith.constant 0 : i32
    %while3A_6 = arith.subi %select_n3A, %while3A_5 : i32
    %while3A_7 = arith.addi %while3A_5, %while3A_6 : i32
    %while3A_8 = arith.constant 1 : i32
    %while3A_9 = arith.divsi %while3A_6, %while3A_8 : i32
    %while3A_10 = arith.muli %while3A_9, %while3A_8 : i32
    %while3A_11 = arith.addi %while3A_5, %while3A_10 : i32
    %while3A_12 = arith.constant 1 : i32
    scf.for %while3A_19 = %while3A_5 to %while3A_11 step %while3A_12  : i32 {
      "tpu.region"() ({
        %run_scoped3A = tpu.sem_alloc : memref<!tpu.dma_semaphore, #tpu.memory_space<semaphore_mem>>
        %dma_start3A = arith.constant 0 : i32
        %dma_start3A_20 = tpu.memref_slice %arg6[%while3A_19, %dma_start3A] : memref<80x128xi32, #tpu.memory_space<vmem>> -> memref<1x128xi32, #tpu.memory_space<vmem>>
        %dma_start3A_21 = tpu.memref_squeeze %dma_start3A_20 : memref<1x128xi32, #tpu.memory_space<vmem>> -> memref<128xi32, #tpu.memory_space<vmem>>
        %dma_start3A_22 = arith.constant 0 : i32
        %dma_start3A_23 = tpu.memref_slice %arg9[%dma_start3A_22] : memref<10240xf32, #tpu.memory_space<vmem_shared>> -> memref<10240xf32, #tpu.memory_space<vmem_shared>>
        tpu.enqueue_indirect_dma source(%arg7 : memref<128xf32, #tpu.memory_space<vmem>>) target(%dma_start3A_23 : memref<10240xf32, #tpu.memory_space<vmem_shared>>) offsets(%dma_start3A_21 : memref<128xi32, #tpu.memory_space<vmem>>) semaphore(%run_scoped3A : memref<!tpu.dma_semaphore, #tpu.memory_space<semaphore_mem>>) {add = true}
        %dma_wait3A = arith.constant 0 : i32
        %dma_wait3A_24 = tpu.memref_slice %arg6[%while3A_19, %dma_wait3A] : memref<80x128xi32, #tpu.memory_space<vmem>> -> memref<1x128xi32, #tpu.memory_space<vmem>>
        %dma_wait3A_25 = tpu.memref_squeeze %dma_wait3A_24 : memref<1x128xi32, #tpu.memory_space<vmem>> -> memref<128xi32, #tpu.memory_space<vmem>>
        %dma_wait3A_26 = arith.constant 0 : i32
        %dma_wait3A_27 = tpu.memref_slice %arg9[%dma_wait3A_26] : memref<10240xf32, #tpu.memory_space<vmem_shared>> -> memref<10240xf32, #tpu.memory_space<vmem_shared>>
        tpu.wait_indirect_dma semaphore(%run_scoped3A : memref<!tpu.dma_semaphore, #tpu.memory_space<semaphore_mem>>) src(%arg7 : memref<128xf32, #tpu.memory_space<vmem>>) dst(%dma_wait3A_27 : memref<10240xf32, #tpu.memory_space<vmem_shared>>)
        tpu.yield
      }) : () -> ()
    }
    %while3A_13 = arith.constant 1 : i32
    scf.for %while3A_19 = %while3A_11 to %while3A_7 step %while3A_13  : i32 {
      "tpu.region"() ({
        %run_scoped3A = tpu.sem_alloc : memref<!tpu.dma_semaphore, #tpu.memory_space<semaphore_mem>>
        %dma_start3A = arith.constant 0 : i32
        %dma_start3A_20 = tpu.memref_slice %arg6[%while3A_19, %dma_start3A] : memref<80x128xi32, #tpu.memory_space<vmem>> -> memref<1x128xi32, #tpu.memory_space<vmem>>
        %dma_start3A_21 = tpu.memref_squeeze %dma_start3A_20 : memref<1x128xi32, #tpu.memory_space<vmem>> -> memref<128xi32, #tpu.memory_space<vmem>>
        %dma_start3A_22 = arith.constant 0 : i32
        %dma_start3A_23 = tpu.memref_slice %arg9[%dma_start3A_22] : memref<10240xf32, #tpu.memory_space<vmem_shared>> -> memref<10240xf32, #tpu.memory_space<vmem_shared>>
        tpu.enqueue_indirect_dma source(%arg7 : memref<128xf32, #tpu.memory_space<vmem>>) target(%dma_start3A_23 : memref<10240xf32, #tpu.memory_space<vmem_shared>>) offsets(%dma_start3A_21 : memref<128xi32, #tpu.memory_space<vmem>>) semaphore(%run_scoped3A : memref<!tpu.dma_semaphore, #tpu.memory_space<semaphore_mem>>) {add = true}
        %dma_wait3A = arith.constant 0 : i32
        %dma_wait3A_24 = tpu.memref_slice %arg6[%while3A_19, %dma_wait3A] : memref<80x128xi32, #tpu.memory_space<vmem>> -> memref<1x128xi32, #tpu.memory_space<vmem>>
        %dma_wait3A_25 = tpu.memref_squeeze %dma_wait3A_24 : memref<1x128xi32, #tpu.memory_space<vmem>> -> memref<128xi32, #tpu.memory_space<vmem>>
        %dma_wait3A_26 = arith.constant 0 : i32
        %dma_wait3A_27 = tpu.memref_slice %arg9[%dma_wait3A_26] : memref<10240xf32, #tpu.memory_space<vmem_shared>> -> memref<10240xf32, #tpu.memory_space<vmem_shared>>
        tpu.wait_indirect_dma semaphore(%run_scoped3A : memref<!tpu.dma_semaphore, #tpu.memory_space<semaphore_mem>>) src(%arg7 : memref<128xf32, #tpu.memory_space<vmem>>) dst(%dma_wait3A_27 : memref<10240xf32, #tpu.memory_space<vmem_shared>>)
        tpu.yield
      }) : () -> ()
    }
    %barrier3A_14 = arith.constant 0 : index
    tpu.barrier barrier_id(%barrier3A_14)
    %mul3A_15 = arith.constant 640 : i32
    %mul3A_16 = arith.muli %arg1, %mul3A_15 : i32
    %mul3A_17 = arith.constant 640 : i32
    %mul3A_18 = arith.muli %arg1, %mul3A_17 : i32
    "tpu.region"() ({
      %run_scoped3A = tpu.sem_alloc : memref<!tpu.dma_semaphore, #tpu.memory_space<semaphore_mem>>
      %dma_start3A = tpu.memref_slice %arg5[%arg0, %mul3A_18] : memref<2x10240xf32, #tpu.memory_space<hbm>> -> memref<1x640xf32, #tpu.memory_space<hbm>>
      %dma_start3A_19 = tpu.memref_squeeze %dma_start3A : memref<1x640xf32, #tpu.memory_space<hbm>> -> memref<640xf32, #tpu.memory_space<hbm>>
      %dma_start3A_20 = tpu.memref_slice %arg9[%mul3A_16] : memref<10240xf32, #tpu.memory_space<vmem_shared>> -> memref<640xf32, #tpu.memory_space<vmem_shared>>
      tpu.enqueue_dma source(%dma_start3A_20 : memref<640xf32, #tpu.memory_space<vmem_shared>>) target(%dma_start3A_19 : memref<640xf32, #tpu.memory_space<hbm>>) target_semaphore(%run_scoped3A : memref<!tpu.dma_semaphore, #tpu.memory_space<semaphore_mem>>)
      %dma_wait3A = tpu.memref_slice %arg5[%arg0, %mul3A_18] : memref<2x10240xf32, #tpu.memory_space<hbm>> -> memref<1x640xf32, #tpu.memory_space<hbm>>
      %dma_wait3A_21 = tpu.memref_squeeze %dma_wait3A : memref<1x640xf32, #tpu.memory_space<hbm>> -> memref<640xf32, #tpu.memory_space<hbm>>
      %dma_wait3A_22 = tpu.memref_slice %arg9[%mul3A_16] : memref<10240xf32, #tpu.memory_space<vmem_shared>> -> memref<640xf32, #tpu.memory_space<vmem_shared>>
      tpu.wait_dma2 semaphore(%run_scoped3A : memref<!tpu.dma_semaphore, #tpu.memory_space<semaphore_mem>>) src(%dma_wait3A_22 : memref<640xf32, #tpu.memory_space<vmem_shared>>) dst(%dma_wait3A_21 : memref<640xf32, #tpu.memory_space<hbm>>)
      tpu.yield
    }) : () -> ()
    return
  }
}

#map = affine_map<(d0, d1) -> (0, 0)>
#map1 = affine_map<(d0, d1) -> (0, 0, 0)>
module attributes {stable_mosaic.version = 14 : i64} {
  func.func @agg_k(%arg0: i32, %arg1: i32, %arg2: memref<10240x128xf32, #tpu.memory_space<hbm>>, %arg3: memref<32x80x128xi32, #tpu.memory_space<hbm>>, %arg4: memref<32x80x128xi32, #tpu.memory_space<hbm>>, %arg5: memref<640x128xf32, #tpu.memory_space<hbm>>, %arg6: memref<2x10240x128xf32, #tpu.memory_space<hbm>>, %arg7: memref<40x128xi32, #tpu.memory_space<vmem>>, %arg8: memref<40x128xi32, #tpu.memory_space<vmem>>, %arg9: memref<2x128x128xf32, #tpu.memory_space<vmem>>, %arg10: memref<10240x128xf32, #tpu.memory_space<vmem_shared>>, %arg11: memref<!tpu.dma_semaphore, #tpu.memory_space<semaphore_mem>>) attributes {dimension_semantics = [#tpu.dimension_semantics<core_parallel>, #tpu.dimension_semantics<subcore_parallel>], iteration_bounds = array<i64: 2, 16>, scalar_prefetch = 0 : i64, scratch_operands = 5 : i64, tpu.core_type = #tpu.core_type<sc_vector_subcore>, window_params = [{transform_indices = #map}, {transform_indices = #map1}, {transform_indices = #map1}, {transform_indices = #map}, {transform_indices = #map1}]} {
    %mul3A = arith.constant 16 : i32
    %mul3A_0 = arith.muli %arg0, %mul3A : i32
    %add3A = arith.addi %mul3A_0, %arg1 : i32
    "tpu.trace_start"() <{level = 10 : i32, message = "agg_setup"}> : () -> ()
    %mul3A_1 = arith.constant 640 : i32
    %mul3A_2 = arith.muli %arg1, %mul3A_1 : i32
    "tpu.region"() ({
      %run_scoped3A = tpu.sem_alloc : memref<!tpu.dma_semaphore, #tpu.memory_space<semaphore_mem>>
      %dma_start3A = arith.constant 0 : i32
      %dma_start3A_13 = tpu.memref_slice %arg10[%mul3A_2, %dma_start3A] : memref<10240x128xf32, #tpu.memory_space<vmem_shared>> -> memref<640x128xf32, #tpu.memory_space<vmem_shared>>
      tpu.enqueue_dma source(%arg5 : memref<640x128xf32, #tpu.memory_space<hbm>>) target(%dma_start3A_13 : memref<640x128xf32, #tpu.memory_space<vmem_shared>>) target_semaphore(%run_scoped3A : memref<!tpu.dma_semaphore, #tpu.memory_space<semaphore_mem>>)
      %dma_wait3A = arith.constant 0 : i32
      %dma_wait3A_14 = tpu.memref_slice %arg10[%mul3A_2, %dma_wait3A] : memref<10240x128xf32, #tpu.memory_space<vmem_shared>> -> memref<640x128xf32, #tpu.memory_space<vmem_shared>>
      tpu.wait_dma2 semaphore(%run_scoped3A : memref<!tpu.dma_semaphore, #tpu.memory_space<semaphore_mem>>) src(%arg5 : memref<640x128xf32, #tpu.memory_space<hbm>>) dst(%dma_wait3A_14 : memref<640x128xf32, #tpu.memory_space<vmem_shared>>)
      tpu.yield
    }) : () -> ()
    %barrier3A = arith.constant 0 : index
    tpu.barrier barrier_id(%barrier3A)
    "tpu.trace_stop"() : () -> ()
    "tpu.trace_start"() <{level = 10 : i32, message = "agg_loop"}> : () -> ()
    %scan3A = arith.constant 0 : i32
    %scan3A_3 = arith.constant 0 : i32
    %scan3A_4 = arith.constant 2 : i32
    %scan3A_5 = arith.addi %scan3A_3, %scan3A_4 : i32
    %scan3A_6 = arith.constant 1 : i32
    scf.for %scan3A_13 = %scan3A_3 to %scan3A_5 step %scan3A_6  : i32 {
      %mul3A_14 = arith.constant 40 : i32
      %mul3A_15 = arith.muli %scan3A_13, %mul3A_14 : i32
      "tpu.region"() ({
        %run_scoped3A = tpu.sem_alloc : memref<!tpu.dma_semaphore, #tpu.memory_space<semaphore_mem>>
        %dma_start3A = arith.constant 0 : i32
        %dma_start3A_24 = tpu.memref_slice %arg3[%add3A, %mul3A_15, %dma_start3A] : memref<32x80x128xi32, #tpu.memory_space<hbm>> -> memref<1x40x128xi32, #tpu.memory_space<hbm>>
        %dma_start3A_25 = tpu.memref_squeeze %dma_start3A_24 : memref<1x40x128xi32, #tpu.memory_space<hbm>> -> memref<40x128xi32, #tpu.memory_space<hbm>>
        %dma_start3A_26 = arith.constant 0 : i32
        %dma_start3A_27 = tpu.memref_slice %arg3[%add3A, %mul3A_15, %dma_start3A_26] : memref<32x80x128xi32, #tpu.memory_space<hbm>> -> memref<1x40x128xi32, #tpu.memory_space<hbm>>
        %dma_start3A_28 = tpu.memref_squeeze %dma_start3A_27 : memref<1x40x128xi32, #tpu.memory_space<hbm>> -> memref<40x128xi32, #tpu.memory_space<hbm>>
        tpu.enqueue_dma source(%dma_start3A_28 : memref<40x128xi32, #tpu.memory_space<hbm>>) target(%arg7 : memref<40x128xi32, #tpu.memory_space<vmem>>) target_semaphore(%run_scoped3A : memref<!tpu.dma_semaphore, #tpu.memory_space<semaphore_mem>>)
        %dma_wait3A = arith.constant 0 : i32
        %dma_wait3A_29 = tpu.memref_slice %arg3[%add3A, %mul3A_15, %dma_wait3A] : memref<32x80x128xi32, #tpu.memory_space<hbm>> -> memref<1x40x128xi32, #tpu.memory_space<hbm>>
        %dma_wait3A_30 = tpu.memref_squeeze %dma_wait3A_29 : memref<1x40x128xi32, #tpu.memory_space<hbm>> -> memref<40x128xi32, #tpu.memory_space<hbm>>
        %dma_wait3A_31 = arith.constant 0 : i32
        %dma_wait3A_32 = tpu.memref_slice %arg3[%add3A, %mul3A_15, %dma_wait3A_31] : memref<32x80x128xi32, #tpu.memory_space<hbm>> -> memref<1x40x128xi32, #tpu.memory_space<hbm>>
        %dma_wait3A_33 = tpu.memref_squeeze %dma_wait3A_32 : memref<1x40x128xi32, #tpu.memory_space<hbm>> -> memref<40x128xi32, #tpu.memory_space<hbm>>
        tpu.wait_dma2 semaphore(%run_scoped3A : memref<!tpu.dma_semaphore, #tpu.memory_space<semaphore_mem>>) src(%dma_wait3A_33 : memref<40x128xi32, #tpu.memory_space<hbm>>) dst(%arg7 : memref<40x128xi32, #tpu.memory_space<vmem>>)
        tpu.yield
      }) : () -> ()
      %mul3A_16 = arith.constant 40 : i32
      %mul3A_17 = arith.muli %scan3A_13, %mul3A_16 : i32
      "tpu.region"() ({
        %run_scoped3A = tpu.sem_alloc : memref<!tpu.dma_semaphore, #tpu.memory_space<semaphore_mem>>
        %dma_start3A = arith.constant 0 : i32
        %dma_start3A_24 = tpu.memref_slice %arg4[%add3A, %mul3A_17, %dma_start3A] : memref<32x80x128xi32, #tpu.memory_space<hbm>> -> memref<1x40x128xi32, #tpu.memory_space<hbm>>
        %dma_start3A_25 = tpu.memref_squeeze %dma_start3A_24 : memref<1x40x128xi32, #tpu.memory_space<hbm>> -> memref<40x128xi32, #tpu.memory_space<hbm>>
        %dma_start3A_26 = arith.constant 0 : i32
        %dma_start3A_27 = tpu.memref_slice %arg4[%add3A, %mul3A_17, %dma_start3A_26] : memref<32x80x128xi32, #tpu.memory_space<hbm>> -> memref<1x40x128xi32, #tpu.memory_space<hbm>>
        %dma_start3A_28 = tpu.memref_squeeze %dma_start3A_27 : memref<1x40x128xi32, #tpu.memory_space<hbm>> -> memref<40x128xi32, #tpu.memory_space<hbm>>
        tpu.enqueue_dma source(%dma_start3A_28 : memref<40x128xi32, #tpu.memory_space<hbm>>) target(%arg8 : memref<40x128xi32, #tpu.memory_space<vmem>>) target_semaphore(%run_scoped3A : memref<!tpu.dma_semaphore, #tpu.memory_space<semaphore_mem>>)
        %dma_wait3A = arith.constant 0 : i32
        %dma_wait3A_29 = tpu.memref_slice %arg4[%add3A, %mul3A_17, %dma_wait3A] : memref<32x80x128xi32, #tpu.memory_space<hbm>> -> memref<1x40x128xi32, #tpu.memory_space<hbm>>
        %dma_wait3A_30 = tpu.memref_squeeze %dma_wait3A_29 : memref<1x40x128xi32, #tpu.memory_space<hbm>> -> memref<40x128xi32, #tpu.memory_space<hbm>>
        %dma_wait3A_31 = arith.constant 0 : i32
        %dma_wait3A_32 = tpu.memref_slice %arg4[%add3A, %mul3A_17, %dma_wait3A_31] : memref<32x80x128xi32, #tpu.memory_space<hbm>> -> memref<1x40x128xi32, #tpu.memory_space<hbm>>
        %dma_wait3A_33 = tpu.memref_squeeze %dma_wait3A_32 : memref<1x40x128xi32, #tpu.memory_space<hbm>> -> memref<40x128xi32, #tpu.memory_space<hbm>>
        tpu.wait_dma2 semaphore(%run_scoped3A : memref<!tpu.dma_semaphore, #tpu.memory_space<semaphore_mem>>) src(%dma_wait3A_33 : memref<40x128xi32, #tpu.memory_space<hbm>>) dst(%arg8 : memref<40x128xi32, #tpu.memory_space<vmem>>)
        tpu.yield
      }) : () -> ()
      %scan3A_18 = arith.constant 0 : i32
      %scan3A_19 = arith.constant 0 : i32
      %scan3A_20 = arith.constant 41 : i32
      %scan3A_21 = arith.addi %scan3A_19, %scan3A_20 : i32
      %scan3A_22 = arith.constant 1 : i32
      scf.for %scan3A_24 = %scan3A_19 to %scan3A_21 step %scan3A_22  : i32 {
        %lt3A = arith.constant 40 : i32
        %lt3A_25 = arith.cmpi slt, %scan3A_24, %lt3A : i32
        %convert_element_type3A = arith.extui %lt3A_25 : i1 to i32
        %cond3A = arith.constant 0 : i32
        %cond3A_26 = arith.cmpi ne, %convert_element_type3A, %cond3A : i32
        scf.if %cond3A_26 {
          %jit3A = arith.constant 2 : i32
          %eq3A = arith.constant 0 : i32
          %eq3A_31 = arith.cmpi eq, %jit3A, %eq3A : i32
          %jit3A_32 = arith.constant 1 : i32
          %select_n3A = arith.select %eq3A_31, %jit3A_32, %jit3A : i32
          %rem3A = arith.remsi %scan3A_24, %select_n3A : i32
          %ne3A = arith.constant 0 : i32
          %ne3A_33 = arith.cmpi ne, %rem3A, %ne3A : i32
          %lt3A_34 = arith.constant 0 : i32
          %lt3A_35 = arith.cmpi slt, %rem3A, %lt3A_34 : i32
          %lt3A_36 = arith.constant 0 : i32
          %lt3A_37 = arith.cmpi slt, %select_n3A, %lt3A_36 : i32
          %ne3A_38 = arith.xori %lt3A_35, %lt3A_37 : i1
          %and3A = arith.andi %ne3A_38, %ne3A_33 : i1
          %add3A_39 = arith.addi %rem3A, %select_n3A : i32
          %select_n3A_40 = arith.select %and3A, %add3A_39, %rem3A : i32
          %dma_start3A = arith.constant 0 : i32
          %dma_start3A_41 = arith.constant 0 : i32
          %dma_start3A_42 = tpu.memref_slice %arg9[%select_n3A_40, %dma_start3A, %dma_start3A_41] : memref<2x128x128xf32, #tpu.memory_space<vmem>> -> memref<1x128x128xf32, #tpu.memory_space<vmem>>
          %dma_start3A_43 = tpu.memref_squeeze %dma_start3A_42 : memref<1x128x128xf32, #tpu.memory_space<vmem>> -> memref<128x128xf32, #tpu.memory_space<vmem>>
          %dma_start3A_44 = arith.constant 0 : i32
          %dma_start3A_45 = tpu.memref_slice %arg7[%scan3A_24, %dma_start3A_44] : memref<40x128xi32, #tpu.memory_space<vmem>> -> memref<1x128xi32, #tpu.memory_space<vmem>>
          %dma_start3A_46 = tpu.memref_squeeze %dma_start3A_45 : memref<1x128xi32, #tpu.memory_space<vmem>> -> memref<128xi32, #tpu.memory_space<vmem>>
          %dma_start3A_47 = arith.constant 0 : i32
          %dma_start3A_48 = arith.constant 0 : i32
          %dma_start3A_49 = tpu.memref_slice %arg2[%dma_start3A_47, %dma_start3A_48] : memref<10240x128xf32, #tpu.memory_space<hbm>> -> memref<10240x128xf32, #tpu.memory_space<hbm>>
          tpu.enqueue_indirect_dma source(%dma_start3A_49 : memref<10240x128xf32, #tpu.memory_space<hbm>>) target(%dma_start3A_43 : memref<128x128xf32, #tpu.memory_space<vmem>>) offsets(%dma_start3A_46 : memref<128xi32, #tpu.memory_space<vmem>>) semaphore(%arg11 : memref<!tpu.dma_semaphore, #tpu.memory_space<semaphore_mem>>)
        } else {
        }
        %gt3A = arith.constant 0 : i32
        %gt3A_27 = arith.cmpi sgt, %scan3A_24, %gt3A : i32
        %convert_element_type3A_28 = arith.extui %gt3A_27 : i1 to i32
        %cond3A_29 = arith.constant 0 : i32
        %cond3A_30 = arith.cmpi ne, %convert_element_type3A_28, %cond3A_29 : i32
        scf.if %cond3A_30 {
          %sub3A = arith.constant 1 : i32
          %sub3A_31 = arith.subi %scan3A_24, %sub3A : i32
          %jit3A = arith.constant 2 : i32
          %eq3A = arith.constant 0 : i32
          %eq3A_32 = arith.cmpi eq, %jit3A, %eq3A : i32
          %jit3A_33 = arith.constant 1 : i32
          %select_n3A = arith.select %eq3A_32, %jit3A_33, %jit3A : i32
          %rem3A = arith.remsi %sub3A_31, %select_n3A : i32
          %ne3A = arith.constant 0 : i32
          %ne3A_34 = arith.cmpi ne, %rem3A, %ne3A : i32
          %lt3A_35 = arith.constant 0 : i32
          %lt3A_36 = arith.cmpi slt, %rem3A, %lt3A_35 : i32
          %lt3A_37 = arith.constant 0 : i32
          %lt3A_38 = arith.cmpi slt, %select_n3A, %lt3A_37 : i32
          %ne3A_39 = arith.xori %lt3A_36, %lt3A_38 : i1
          %and3A = arith.andi %ne3A_39, %ne3A_34 : i1
          %add3A_40 = arith.addi %rem3A, %select_n3A : i32
          %select_n3A_41 = arith.select %and3A, %add3A_40, %rem3A : i32
          %dma_wait3A = arith.constant 0 : i32
          %dma_wait3A_42 = arith.constant 0 : i32
          %dma_wait3A_43 = tpu.memref_slice %arg9[%select_n3A_41, %dma_wait3A, %dma_wait3A_42] : memref<2x128x128xf32, #tpu.memory_space<vmem>> -> memref<1x128x128xf32, #tpu.memory_space<vmem>>
          %dma_wait3A_44 = tpu.memref_squeeze %dma_wait3A_43 : memref<1x128x128xf32, #tpu.memory_space<vmem>> -> memref<128x128xf32, #tpu.memory_space<vmem>>
          %dma_wait3A_45 = arith.constant 0 : i32
          %dma_wait3A_46 = tpu.memref_slice %arg7[%sub3A_31, %dma_wait3A_45] : memref<40x128xi32, #tpu.memory_space<vmem>> -> memref<1x128xi32, #tpu.memory_space<vmem>>
          %dma_wait3A_47 = tpu.memref_squeeze %dma_wait3A_46 : memref<1x128xi32, #tpu.memory_space<vmem>> -> memref<128xi32, #tpu.memory_space<vmem>>
          %dma_wait3A_48 = arith.constant 0 : i32
          %dma_wait3A_49 = arith.constant 0 : i32
          %dma_wait3A_50 = tpu.memref_slice %arg2[%dma_wait3A_48, %dma_wait3A_49] : memref<10240x128xf32, #tpu.memory_space<hbm>> -> memref<10240x128xf32, #tpu.memory_space<hbm>>
          tpu.wait_indirect_dma semaphore(%arg11 : memref<!tpu.dma_semaphore, #tpu.memory_space<semaphore_mem>>) src(%dma_wait3A_50 : memref<10240x128xf32, #tpu.memory_space<hbm>>) dst(%dma_wait3A_44 : memref<128x128xf32, #tpu.memory_space<vmem>>)
          %jit3A_51 = arith.constant 2 : i32
          %eq3A_52 = arith.constant 0 : i32
          %eq3A_53 = arith.cmpi eq, %jit3A_51, %eq3A_52 : i32
          %jit3A_54 = arith.constant 1 : i32
          %select_n3A_55 = arith.select %eq3A_53, %jit3A_54, %jit3A_51 : i32
          %rem3A_56 = arith.remsi %sub3A_31, %select_n3A_55 : i32
          %ne3A_57 = arith.constant 0 : i32
          %ne3A_58 = arith.cmpi ne, %rem3A_56, %ne3A_57 : i32
          %lt3A_59 = arith.constant 0 : i32
          %lt3A_60 = arith.cmpi slt, %rem3A_56, %lt3A_59 : i32
          %lt3A_61 = arith.constant 0 : i32
          %lt3A_62 = arith.cmpi slt, %select_n3A_55, %lt3A_61 : i32
          %ne3A_63 = arith.xori %lt3A_60, %lt3A_62 : i1
          %and3A_64 = arith.andi %ne3A_63, %ne3A_58 : i1
          %add3A_65 = arith.addi %rem3A_56, %select_n3A_55 : i32
          %select_n3A_66 = arith.select %and3A_64, %add3A_65, %rem3A_56 : i32
          "tpu.region"() ({
            %run_scoped3A = tpu.sem_alloc : memref<!tpu.dma_semaphore, #tpu.memory_space<semaphore_mem>>
            %dma_start3A = arith.constant 0 : i32
            %dma_start3A_67 = arith.constant 0 : i32
            %dma_start3A_68 = tpu.memref_slice %arg9[%select_n3A_66, %dma_start3A, %dma_start3A_67] : memref<2x128x128xf32, #tpu.memory_space<vmem>> -> memref<1x128x128xf32, #tpu.memory_space<vmem>>
            %dma_start3A_69 = tpu.memref_squeeze %dma_start3A_68 : memref<1x128x128xf32, #tpu.memory_space<vmem>> -> memref<128x128xf32, #tpu.memory_space<vmem>>
            %dma_start3A_70 = arith.constant 0 : i32
            %dma_start3A_71 = tpu.memref_slice %arg8[%sub3A_31, %dma_start3A_70] : memref<40x128xi32, #tpu.memory_space<vmem>> -> memref<1x128xi32, #tpu.memory_space<vmem>>
            %dma_start3A_72 = tpu.memref_squeeze %dma_start3A_71 : memref<1x128xi32, #tpu.memory_space<vmem>> -> memref<128xi32, #tpu.memory_space<vmem>>
            %dma_start3A_73 = arith.constant 0 : i32
            %dma_start3A_74 = arith.constant 0 : i32
            %dma_start3A_75 = tpu.memref_slice %arg10[%dma_start3A_73, %dma_start3A_74] : memref<10240x128xf32, #tpu.memory_space<vmem_shared>> -> memref<10240x128xf32, #tpu.memory_space<vmem_shared>>
            tpu.enqueue_indirect_dma source(%dma_start3A_69 : memref<128x128xf32, #tpu.memory_space<vmem>>) target(%dma_start3A_75 : memref<10240x128xf32, #tpu.memory_space<vmem_shared>>) offsets(%dma_start3A_72 : memref<128xi32, #tpu.memory_space<vmem>>) semaphore(%run_scoped3A : memref<!tpu.dma_semaphore, #tpu.memory_space<semaphore_mem>>) {add = true}
            %dma_wait3A_76 = arith.constant 0 : i32
            %dma_wait3A_77 = arith.constant 0 : i32
            %dma_wait3A_78 = tpu.memref_slice %arg9[%select_n3A_66, %dma_wait3A_76, %dma_wait3A_77] : memref<2x128x128xf32, #tpu.memory_space<vmem>> -> memref<1x128x128xf32, #tpu.memory_space<vmem>>
            %dma_wait3A_79 = tpu.memref_squeeze %dma_wait3A_78 : memref<1x128x128xf32, #tpu.memory_space<vmem>> -> memref<128x128xf32, #tpu.memory_space<vmem>>
            %dma_wait3A_80 = arith.constant 0 : i32
            %dma_wait3A_81 = tpu.memref_slice %arg8[%sub3A_31, %dma_wait3A_80] : memref<40x128xi32, #tpu.memory_space<vmem>> -> memref<1x128xi32, #tpu.memory_space<vmem>>
            %dma_wait3A_82 = tpu.memref_squeeze %dma_wait3A_81 : memref<1x128xi32, #tpu.memory_space<vmem>> -> memref<128xi32, #tpu.memory_space<vmem>>
            %dma_wait3A_83 = arith.constant 0 : i32
            %dma_wait3A_84 = arith.constant 0 : i32
            %dma_wait3A_85 = tpu.memref_slice %arg10[%dma_wait3A_83, %dma_wait3A_84] : memref<10240x128xf32, #tpu.memory_space<vmem_shared>> -> memref<10240x128xf32, #tpu.memory_space<vmem_shared>>
            tpu.wait_indirect_dma semaphore(%run_scoped3A : memref<!tpu.dma_semaphore, #tpu.memory_space<semaphore_mem>>) src(%dma_wait3A_79 : memref<128x128xf32, #tpu.memory_space<vmem>>) dst(%dma_wait3A_85 : memref<10240x128xf32, #tpu.memory_space<vmem_shared>>)
            tpu.yield
          }) : () -> ()
        } else {
        }
      }
      %scan3A_23 = arith.constant 41 : i32
    }
    %scan3A_7 = arith.constant 2 : i32
    %barrier3A_8 = arith.constant 0 : index
    tpu.barrier barrier_id(%barrier3A_8)
    "tpu.trace_stop"() : () -> ()
    "tpu.trace_start"() <{level = 10 : i32, message = "agg_writeback"}> : () -> ()
    %mul3A_9 = arith.constant 640 : i32
    %mul3A_10 = arith.muli %arg1, %mul3A_9 : i32
    %mul3A_11 = arith.constant 640 : i32
    %mul3A_12 = arith.muli %arg1, %mul3A_11 : i32
    "tpu.region"() ({
      %run_scoped3A = tpu.sem_alloc : memref<!tpu.dma_semaphore, #tpu.memory_space<semaphore_mem>>
      %dma_start3A = arith.constant 0 : i32
      %dma_start3A_13 = tpu.memref_slice %arg6[%arg0, %mul3A_12, %dma_start3A] : memref<2x10240x128xf32, #tpu.memory_space<hbm>> -> memref<1x640x128xf32, #tpu.memory_space<hbm>>
      %dma_start3A_14 = tpu.memref_squeeze %dma_start3A_13 : memref<1x640x128xf32, #tpu.memory_space<hbm>> -> memref<640x128xf32, #tpu.memory_space<hbm>>
      %dma_start3A_15 = arith.constant 0 : i32
      %dma_start3A_16 = tpu.memref_slice %arg10[%mul3A_10, %dma_start3A_15] : memref<10240x128xf32, #tpu.memory_space<vmem_shared>> -> memref<640x128xf32, #tpu.memory_space<vmem_shared>>
      tpu.enqueue_dma source(%dma_start3A_16 : memref<640x128xf32, #tpu.memory_space<vmem_shared>>) target(%dma_start3A_14 : memref<640x128xf32, #tpu.memory_space<hbm>>) target_semaphore(%run_scoped3A : memref<!tpu.dma_semaphore, #tpu.memory_space<semaphore_mem>>)
      %dma_wait3A = arith.constant 0 : i32
      %dma_wait3A_17 = tpu.memref_slice %arg6[%arg0, %mul3A_12, %dma_wait3A] : memref<2x10240x128xf32, #tpu.memory_space<hbm>> -> memref<1x640x128xf32, #tpu.memory_space<hbm>>
      %dma_wait3A_18 = tpu.memref_squeeze %dma_wait3A_17 : memref<1x640x128xf32, #tpu.memory_space<hbm>> -> memref<640x128xf32, #tpu.memory_space<hbm>>
      %dma_wait3A_19 = arith.constant 0 : i32
      %dma_wait3A_20 = tpu.memref_slice %arg10[%mul3A_10, %dma_wait3A_19] : memref<10240x128xf32, #tpu.memory_space<vmem_shared>> -> memref<640x128xf32, #tpu.memory_space<vmem_shared>>
      tpu.wait_dma2 semaphore(%run_scoped3A : memref<!tpu.dma_semaphore, #tpu.memory_space<semaphore_mem>>) src(%dma_wait3A_20 : memref<640x128xf32, #tpu.memory_space<vmem_shared>>) dst(%dma_wait3A_18 : memref<640x128xf32, #tpu.memory_space<hbm>>)
      tpu.yield
    }) : () -> ()
    "tpu.trace_stop"() : () -> ()
    return
  }
}

#map = affine_map<(d0, d1) -> (0, 0)>
#map1 = affine_map<(d0, d1) -> (0, 0, 0)>
module attributes {stable_mosaic.version = 14 : i64} {
  func.func @agg_k(%arg0: i32, %arg1: i32, %arg2: memref<10240x128xf32, #tpu.memory_space<hbm>>, %arg3: memref<32x80x128xi32, #tpu.memory_space<hbm>>, %arg4: memref<32x80x128xi32, #tpu.memory_space<hbm>>, %arg5: memref<640x128xf32, #tpu.memory_space<hbm>>, %arg6: memref<2x10240x128xf32, #tpu.memory_space<hbm>>, %arg7: memref<40x128xi32, #tpu.memory_space<vmem>>, %arg8: memref<40x128xi32, #tpu.memory_space<vmem>>, %arg9: memref<2x128x128xf32, #tpu.memory_space<vmem>>, %arg10: memref<10240x128xf32, #tpu.memory_space<vmem_shared>>, %arg11: memref<!tpu.dma_semaphore, #tpu.memory_space<semaphore_mem>>) attributes {dimension_semantics = [#tpu.dimension_semantics<core_parallel>, #tpu.dimension_semantics<subcore_parallel>], iteration_bounds = array<i64: 2, 16>, scalar_prefetch = 0 : i64, scratch_operands = 5 : i64, tpu.core_type = #tpu.core_type<sc_vector_subcore>, window_params = [{transform_indices = #map}, {transform_indices = #map1}, {transform_indices = #map1}, {transform_indices = #map}, {transform_indices = #map1}]} {
    %mul3A = arith.constant 16 : i32
    %mul3A_0 = arith.muli %arg0, %mul3A : i32
    %add3A = arith.addi %mul3A_0, %arg1 : i32
    "tpu.trace_start"() <{level = 10 : i32, message = "agg_setup"}> : () -> ()
    %mul3A_1 = arith.constant 640 : i32
    %mul3A_2 = arith.muli %arg1, %mul3A_1 : i32
    "tpu.region"() ({
      %run_scoped3A = tpu.sem_alloc : memref<!tpu.dma_semaphore, #tpu.memory_space<semaphore_mem>>
      %dma_start3A = arith.constant 0 : i32
      %dma_start3A_13 = tpu.memref_slice %arg10[%mul3A_2, %dma_start3A] : memref<10240x128xf32, #tpu.memory_space<vmem_shared>> -> memref<640x128xf32, #tpu.memory_space<vmem_shared>>
      tpu.enqueue_dma source(%arg5 : memref<640x128xf32, #tpu.memory_space<hbm>>) target(%dma_start3A_13 : memref<640x128xf32, #tpu.memory_space<vmem_shared>>) target_semaphore(%run_scoped3A : memref<!tpu.dma_semaphore, #tpu.memory_space<semaphore_mem>>)
      %dma_wait3A = arith.constant 0 : i32
      %dma_wait3A_14 = tpu.memref_slice %arg10[%mul3A_2, %dma_wait3A] : memref<10240x128xf32, #tpu.memory_space<vmem_shared>> -> memref<640x128xf32, #tpu.memory_space<vmem_shared>>
      tpu.wait_dma2 semaphore(%run_scoped3A : memref<!tpu.dma_semaphore, #tpu.memory_space<semaphore_mem>>) src(%arg5 : memref<640x128xf32, #tpu.memory_space<hbm>>) dst(%dma_wait3A_14 : memref<640x128xf32, #tpu.memory_space<vmem_shared>>)
      tpu.yield
    }) : () -> ()
    %barrier3A = arith.constant 0 : index
    tpu.barrier barrier_id(%barrier3A)
    "tpu.trace_stop"() : () -> ()
    "tpu.trace_start"() <{level = 10 : i32, message = "agg_loop"}> : () -> ()
    %scan3A = arith.constant 0 : i32
    %scan3A_3 = arith.constant 0 : i32
    %scan3A_4 = arith.constant 2 : i32
    %scan3A_5 = arith.addi %scan3A_3, %scan3A_4 : i32
    %scan3A_6 = arith.constant 1 : i32
    scf.for %scan3A_13 = %scan3A_3 to %scan3A_5 step %scan3A_6  : i32 {
      %mul3A_14 = arith.constant 40 : i32
      %mul3A_15 = arith.muli %scan3A_13, %mul3A_14 : i32
      "tpu.region"() ({
        %run_scoped3A = tpu.sem_alloc : memref<!tpu.dma_semaphore, #tpu.memory_space<semaphore_mem>>
        %dma_start3A = arith.constant 0 : i32
        %dma_start3A_24 = tpu.memref_slice %arg3[%add3A, %mul3A_15, %dma_start3A] : memref<32x80x128xi32, #tpu.memory_space<hbm>> -> memref<1x40x128xi32, #tpu.memory_space<hbm>>
        %dma_start3A_25 = tpu.memref_squeeze %dma_start3A_24 : memref<1x40x128xi32, #tpu.memory_space<hbm>> -> memref<40x128xi32, #tpu.memory_space<hbm>>
        %dma_start3A_26 = arith.constant 0 : i32
        %dma_start3A_27 = tpu.memref_slice %arg3[%add3A, %mul3A_15, %dma_start3A_26] : memref<32x80x128xi32, #tpu.memory_space<hbm>> -> memref<1x40x128xi32, #tpu.memory_space<hbm>>
        %dma_start3A_28 = tpu.memref_squeeze %dma_start3A_27 : memref<1x40x128xi32, #tpu.memory_space<hbm>> -> memref<40x128xi32, #tpu.memory_space<hbm>>
        tpu.enqueue_dma source(%dma_start3A_28 : memref<40x128xi32, #tpu.memory_space<hbm>>) target(%arg7 : memref<40x128xi32, #tpu.memory_space<vmem>>) target_semaphore(%run_scoped3A : memref<!tpu.dma_semaphore, #tpu.memory_space<semaphore_mem>>)
        %dma_wait3A = arith.constant 0 : i32
        %dma_wait3A_29 = tpu.memref_slice %arg3[%add3A, %mul3A_15, %dma_wait3A] : memref<32x80x128xi32, #tpu.memory_space<hbm>> -> memref<1x40x128xi32, #tpu.memory_space<hbm>>
        %dma_wait3A_30 = tpu.memref_squeeze %dma_wait3A_29 : memref<1x40x128xi32, #tpu.memory_space<hbm>> -> memref<40x128xi32, #tpu.memory_space<hbm>>
        %dma_wait3A_31 = arith.constant 0 : i32
        %dma_wait3A_32 = tpu.memref_slice %arg3[%add3A, %mul3A_15, %dma_wait3A_31] : memref<32x80x128xi32, #tpu.memory_space<hbm>> -> memref<1x40x128xi32, #tpu.memory_space<hbm>>
        %dma_wait3A_33 = tpu.memref_squeeze %dma_wait3A_32 : memref<1x40x128xi32, #tpu.memory_space<hbm>> -> memref<40x128xi32, #tpu.memory_space<hbm>>
        tpu.wait_dma2 semaphore(%run_scoped3A : memref<!tpu.dma_semaphore, #tpu.memory_space<semaphore_mem>>) src(%dma_wait3A_33 : memref<40x128xi32, #tpu.memory_space<hbm>>) dst(%arg7 : memref<40x128xi32, #tpu.memory_space<vmem>>)
        tpu.yield
      }) : () -> ()
      %mul3A_16 = arith.constant 40 : i32
      %mul3A_17 = arith.muli %scan3A_13, %mul3A_16 : i32
      "tpu.region"() ({
        %run_scoped3A = tpu.sem_alloc : memref<!tpu.dma_semaphore, #tpu.memory_space<semaphore_mem>>
        %dma_start3A = arith.constant 0 : i32
        %dma_start3A_24 = tpu.memref_slice %arg4[%add3A, %mul3A_17, %dma_start3A] : memref<32x80x128xi32, #tpu.memory_space<hbm>> -> memref<1x40x128xi32, #tpu.memory_space<hbm>>
        %dma_start3A_25 = tpu.memref_squeeze %dma_start3A_24 : memref<1x40x128xi32, #tpu.memory_space<hbm>> -> memref<40x128xi32, #tpu.memory_space<hbm>>
        %dma_start3A_26 = arith.constant 0 : i32
        %dma_start3A_27 = tpu.memref_slice %arg4[%add3A, %mul3A_17, %dma_start3A_26] : memref<32x80x128xi32, #tpu.memory_space<hbm>> -> memref<1x40x128xi32, #tpu.memory_space<hbm>>
        %dma_start3A_28 = tpu.memref_squeeze %dma_start3A_27 : memref<1x40x128xi32, #tpu.memory_space<hbm>> -> memref<40x128xi32, #tpu.memory_space<hbm>>
        tpu.enqueue_dma source(%dma_start3A_28 : memref<40x128xi32, #tpu.memory_space<hbm>>) target(%arg8 : memref<40x128xi32, #tpu.memory_space<vmem>>) target_semaphore(%run_scoped3A : memref<!tpu.dma_semaphore, #tpu.memory_space<semaphore_mem>>)
        %dma_wait3A = arith.constant 0 : i32
        %dma_wait3A_29 = tpu.memref_slice %arg4[%add3A, %mul3A_17, %dma_wait3A] : memref<32x80x128xi32, #tpu.memory_space<hbm>> -> memref<1x40x128xi32, #tpu.memory_space<hbm>>
        %dma_wait3A_30 = tpu.memref_squeeze %dma_wait3A_29 : memref<1x40x128xi32, #tpu.memory_space<hbm>> -> memref<40x128xi32, #tpu.memory_space<hbm>>
        %dma_wait3A_31 = arith.constant 0 : i32
        %dma_wait3A_32 = tpu.memref_slice %arg4[%add3A, %mul3A_17, %dma_wait3A_31] : memref<32x80x128xi32, #tpu.memory_space<hbm>> -> memref<1x40x128xi32, #tpu.memory_space<hbm>>
        %dma_wait3A_33 = tpu.memref_squeeze %dma_wait3A_32 : memref<1x40x128xi32, #tpu.memory_space<hbm>> -> memref<40x128xi32, #tpu.memory_space<hbm>>
        tpu.wait_dma2 semaphore(%run_scoped3A : memref<!tpu.dma_semaphore, #tpu.memory_space<semaphore_mem>>) src(%dma_wait3A_33 : memref<40x128xi32, #tpu.memory_space<hbm>>) dst(%arg8 : memref<40x128xi32, #tpu.memory_space<vmem>>)
        tpu.yield
      }) : () -> ()
      %scan3A_18 = arith.constant 0 : i32
      %scan3A_19 = arith.constant 0 : i32
      %scan3A_20 = arith.constant 41 : i32
      %scan3A_21 = arith.addi %scan3A_19, %scan3A_20 : i32
      %scan3A_22 = arith.constant 1 : i32
      scf.for %scan3A_24 = %scan3A_19 to %scan3A_21 step %scan3A_22  : i32 {
        %lt3A = arith.constant 40 : i32
        %lt3A_25 = arith.cmpi slt, %scan3A_24, %lt3A : i32
        %convert_element_type3A = arith.extui %lt3A_25 : i1 to i32
        %cond3A = arith.constant 0 : i32
        %cond3A_26 = arith.cmpi ne, %convert_element_type3A, %cond3A : i32
        scf.if %cond3A_26 {
          %jit3A = arith.constant 2 : i32
          %eq3A = arith.constant 0 : i32
          %eq3A_31 = arith.cmpi eq, %jit3A, %eq3A : i32
          %jit3A_32 = arith.constant 1 : i32
          %select_n3A = arith.select %eq3A_31, %jit3A_32, %jit3A : i32
          %rem3A = arith.remsi %scan3A_24, %select_n3A : i32
          %ne3A = arith.constant 0 : i32
          %ne3A_33 = arith.cmpi ne, %rem3A, %ne3A : i32
          %lt3A_34 = arith.constant 0 : i32
          %lt3A_35 = arith.cmpi slt, %rem3A, %lt3A_34 : i32
          %lt3A_36 = arith.constant 0 : i32
          %lt3A_37 = arith.cmpi slt, %select_n3A, %lt3A_36 : i32
          %ne3A_38 = arith.xori %lt3A_35, %lt3A_37 : i1
          %and3A = arith.andi %ne3A_38, %ne3A_33 : i1
          %add3A_39 = arith.addi %rem3A, %select_n3A : i32
          %select_n3A_40 = arith.select %and3A, %add3A_39, %rem3A : i32
          %dma_start3A = arith.constant 0 : i32
          %dma_start3A_41 = arith.constant 0 : i32
          %dma_start3A_42 = tpu.memref_slice %arg9[%select_n3A_40, %dma_start3A, %dma_start3A_41] : memref<2x128x128xf32, #tpu.memory_space<vmem>> -> memref<1x128x128xf32, #tpu.memory_space<vmem>>
          %dma_start3A_43 = tpu.memref_squeeze %dma_start3A_42 : memref<1x128x128xf32, #tpu.memory_space<vmem>> -> memref<128x128xf32, #tpu.memory_space<vmem>>
          %dma_start3A_44 = arith.constant 0 : i32
          %dma_start3A_45 = tpu.memref_slice %arg7[%scan3A_24, %dma_start3A_44] : memref<40x128xi32, #tpu.memory_space<vmem>> -> memref<1x128xi32, #tpu.memory_space<vmem>>
          %dma_start3A_46 = tpu.memref_squeeze %dma_start3A_45 : memref<1x128xi32, #tpu.memory_space<vmem>> -> memref<128xi32, #tpu.memory_space<vmem>>
          %dma_start3A_47 = arith.constant 0 : i32
          %dma_start3A_48 = arith.constant 0 : i32
          %dma_start3A_49 = tpu.memref_slice %arg2[%dma_start3A_47, %dma_start3A_48] : memref<10240x128xf32, #tpu.memory_space<hbm>> -> memref<10240x128xf32, #tpu.memory_space<hbm>>
          tpu.enqueue_indirect_dma source(%dma_start3A_49 : memref<10240x128xf32, #tpu.memory_space<hbm>>) target(%dma_start3A_43 : memref<128x128xf32, #tpu.memory_space<vmem>>) offsets(%dma_start3A_46 : memref<128xi32, #tpu.memory_space<vmem>>) semaphore(%arg11 : memref<!tpu.dma_semaphore, #tpu.memory_space<semaphore_mem>>)
        } else {
        }
        %gt3A = arith.constant 0 : i32
        %gt3A_27 = arith.cmpi sgt, %scan3A_24, %gt3A : i32
        %convert_element_type3A_28 = arith.extui %gt3A_27 : i1 to i32
        %cond3A_29 = arith.constant 0 : i32
        %cond3A_30 = arith.cmpi ne, %convert_element_type3A_28, %cond3A_29 : i32
        scf.if %cond3A_30 {
          %sub3A = arith.constant 1 : i32
          %sub3A_31 = arith.subi %scan3A_24, %sub3A : i32
          %jit3A = arith.constant 2 : i32
          %eq3A = arith.constant 0 : i32
          %eq3A_32 = arith.cmpi eq, %jit3A, %eq3A : i32
          %jit3A_33 = arith.constant 1 : i32
          %select_n3A = arith.select %eq3A_32, %jit3A_33, %jit3A : i32
          %rem3A = arith.remsi %sub3A_31, %select_n3A : i32
          %ne3A = arith.constant 0 : i32
          %ne3A_34 = arith.cmpi ne, %rem3A, %ne3A : i32
          %lt3A_35 = arith.constant 0 : i32
          %lt3A_36 = arith.cmpi slt, %rem3A, %lt3A_35 : i32
          %lt3A_37 = arith.constant 0 : i32
          %lt3A_38 = arith.cmpi slt, %select_n3A, %lt3A_37 : i32
          %ne3A_39 = arith.xori %lt3A_36, %lt3A_38 : i1
          %and3A = arith.andi %ne3A_39, %ne3A_34 : i1
          %add3A_40 = arith.addi %rem3A, %select_n3A : i32
          %select_n3A_41 = arith.select %and3A, %add3A_40, %rem3A : i32
          %dma_wait3A = arith.constant 0 : i32
          %dma_wait3A_42 = arith.constant 0 : i32
          %dma_wait3A_43 = tpu.memref_slice %arg9[%select_n3A_41, %dma_wait3A, %dma_wait3A_42] : memref<2x128x128xf32, #tpu.memory_space<vmem>> -> memref<1x128x128xf32, #tpu.memory_space<vmem>>
          %dma_wait3A_44 = tpu.memref_squeeze %dma_wait3A_43 : memref<1x128x128xf32, #tpu.memory_space<vmem>> -> memref<128x128xf32, #tpu.memory_space<vmem>>
          %dma_wait3A_45 = arith.constant 0 : i32
          %dma_wait3A_46 = tpu.memref_slice %arg7[%sub3A_31, %dma_wait3A_45] : memref<40x128xi32, #tpu.memory_space<vmem>> -> memref<1x128xi32, #tpu.memory_space<vmem>>
          %dma_wait3A_47 = tpu.memref_squeeze %dma_wait3A_46 : memref<1x128xi32, #tpu.memory_space<vmem>> -> memref<128xi32, #tpu.memory_space<vmem>>
          %dma_wait3A_48 = arith.constant 0 : i32
          %dma_wait3A_49 = arith.constant 0 : i32
          %dma_wait3A_50 = tpu.memref_slice %arg2[%dma_wait3A_48, %dma_wait3A_49] : memref<10240x128xf32, #tpu.memory_space<hbm>> -> memref<10240x128xf32, #tpu.memory_space<hbm>>
          tpu.wait_indirect_dma semaphore(%arg11 : memref<!tpu.dma_semaphore, #tpu.memory_space<semaphore_mem>>) src(%dma_wait3A_50 : memref<10240x128xf32, #tpu.memory_space<hbm>>) dst(%dma_wait3A_44 : memref<128x128xf32, #tpu.memory_space<vmem>>)
          %jit3A_51 = arith.constant 2 : i32
          %eq3A_52 = arith.constant 0 : i32
          %eq3A_53 = arith.cmpi eq, %jit3A_51, %eq3A_52 : i32
          %jit3A_54 = arith.constant 1 : i32
          %select_n3A_55 = arith.select %eq3A_53, %jit3A_54, %jit3A_51 : i32
          %rem3A_56 = arith.remsi %sub3A_31, %select_n3A_55 : i32
          %ne3A_57 = arith.constant 0 : i32
          %ne3A_58 = arith.cmpi ne, %rem3A_56, %ne3A_57 : i32
          %lt3A_59 = arith.constant 0 : i32
          %lt3A_60 = arith.cmpi slt, %rem3A_56, %lt3A_59 : i32
          %lt3A_61 = arith.constant 0 : i32
          %lt3A_62 = arith.cmpi slt, %select_n3A_55, %lt3A_61 : i32
          %ne3A_63 = arith.xori %lt3A_60, %lt3A_62 : i1
          %and3A_64 = arith.andi %ne3A_63, %ne3A_58 : i1
          %add3A_65 = arith.addi %rem3A_56, %select_n3A_55 : i32
          %select_n3A_66 = arith.select %and3A_64, %add3A_65, %rem3A_56 : i32
          "tpu.region"() ({
            %run_scoped3A = tpu.sem_alloc : memref<!tpu.dma_semaphore, #tpu.memory_space<semaphore_mem>>
            %dma_start3A = arith.constant 0 : i32
            %dma_start3A_67 = arith.constant 0 : i32
            %dma_start3A_68 = tpu.memref_slice %arg9[%select_n3A_66, %dma_start3A, %dma_start3A_67] : memref<2x128x128xf32, #tpu.memory_space<vmem>> -> memref<1x128x128xf32, #tpu.memory_space<vmem>>
            %dma_start3A_69 = tpu.memref_squeeze %dma_start3A_68 : memref<1x128x128xf32, #tpu.memory_space<vmem>> -> memref<128x128xf32, #tpu.memory_space<vmem>>
            %dma_start3A_70 = arith.constant 0 : i32
            %dma_start3A_71 = tpu.memref_slice %arg8[%sub3A_31, %dma_start3A_70] : memref<40x128xi32, #tpu.memory_space<vmem>> -> memref<1x128xi32, #tpu.memory_space<vmem>>
            %dma_start3A_72 = tpu.memref_squeeze %dma_start3A_71 : memref<1x128xi32, #tpu.memory_space<vmem>> -> memref<128xi32, #tpu.memory_space<vmem>>
            %dma_start3A_73 = arith.constant 0 : i32
            %dma_start3A_74 = arith.constant 0 : i32
            %dma_start3A_75 = tpu.memref_slice %arg10[%dma_start3A_73, %dma_start3A_74] : memref<10240x128xf32, #tpu.memory_space<vmem_shared>> -> memref<10240x128xf32, #tpu.memory_space<vmem_shared>>
            tpu.enqueue_indirect_dma source(%dma_start3A_69 : memref<128x128xf32, #tpu.memory_space<vmem>>) target(%dma_start3A_75 : memref<10240x128xf32, #tpu.memory_space<vmem_shared>>) offsets(%dma_start3A_72 : memref<128xi32, #tpu.memory_space<vmem>>) semaphore(%run_scoped3A : memref<!tpu.dma_semaphore, #tpu.memory_space<semaphore_mem>>) {add = true}
            %dma_wait3A_76 = arith.constant 0 : i32
            %dma_wait3A_77 = arith.constant 0 : i32
            %dma_wait3A_78 = tpu.memref_slice %arg9[%select_n3A_66, %dma_wait3A_76, %dma_wait3A_77] : memref<2x128x128xf32, #tpu.memory_space<vmem>> -> memref<1x128x128xf32, #tpu.memory_space<vmem>>
            %dma_wait3A_79 = tpu.memref_squeeze %dma_wait3A_78 : memref<1x128x128xf32, #tpu.memory_space<vmem>> -> memref<128x128xf32, #tpu.memory_space<vmem>>
            %dma_wait3A_80 = arith.constant 0 : i32
            %dma_wait3A_81 = tpu.memref_slice %arg8[%sub3A_31, %dma_wait3A_80] : memref<40x128xi32, #tpu.memory_space<vmem>> -> memref<1x128xi32, #tpu.memory_space<vmem>>
            %dma_wait3A_82 = tpu.memref_squeeze %dma_wait3A_81 : memref<1x128xi32, #tpu.memory_space<vmem>> -> memref<128xi32, #tpu.memory_space<vmem>>
            %dma_wait3A_83 = arith.constant 0 : i32
            %dma_wait3A_84 = arith.constant 0 : i32
            %dma_wait3A_85 = tpu.memref_slice %arg10[%dma_wait3A_83, %dma_wait3A_84] : memref<10240x128xf32, #tpu.memory_space<vmem_shared>> -> memref<10240x128xf32, #tpu.memory_space<vmem_shared>>
            tpu.wait_indirect_dma semaphore(%run_scoped3A : memref<!tpu.dma_semaphore, #tpu.memory_space<semaphore_mem>>) src(%dma_wait3A_79 : memref<128x128xf32, #tpu.memory_space<vmem>>) dst(%dma_wait3A_85 : memref<10240x128xf32, #tpu.memory_space<vmem_shared>>)
            tpu.yield
          }) : () -> ()
        } else {
        }
      }
      %scan3A_23 = arith.constant 41 : i32
    }
    %scan3A_7 = arith.constant 2 : i32
    %barrier3A_8 = arith.constant 0 : index
    tpu.barrier barrier_id(%barrier3A_8)
    "tpu.trace_stop"() : () -> ()
    "tpu.trace_start"() <{level = 10 : i32, message = "agg_writeback"}> : () -> ()
    %mul3A_9 = arith.constant 640 : i32
    %mul3A_10 = arith.muli %arg1, %mul3A_9 : i32
    %mul3A_11 = arith.constant 640 : i32
    %mul3A_12 = arith.muli %arg1, %mul3A_11 : i32
    "tpu.region"() ({
      %run_scoped3A = tpu.sem_alloc : memref<!tpu.dma_semaphore, #tpu.memory_space<semaphore_mem>>
      %dma_start3A = arith.constant 0 : i32
      %dma_start3A_13 = tpu.memref_slice %arg6[%arg0, %mul3A_12, %dma_start3A] : memref<2x10240x128xf32, #tpu.memory_space<hbm>> -> memref<1x640x128xf32, #tpu.memory_space<hbm>>
      %dma_start3A_14 = tpu.memref_squeeze %dma_start3A_13 : memref<1x640x128xf32, #tpu.memory_space<hbm>> -> memref<640x128xf32, #tpu.memory_space<hbm>>
      %dma_start3A_15 = arith.constant 0 : i32
      %dma_start3A_16 = tpu.memref_slice %arg10[%mul3A_10, %dma_start3A_15] : memref<10240x128xf32, #tpu.memory_space<vmem_shared>> -> memref<640x128xf32, #tpu.memory_space<vmem_shared>>
      tpu.enqueue_dma source(%dma_start3A_16 : memref<640x128xf32, #tpu.memory_space<vmem_shared>>) target(%dma_start3A_14 : memref<640x128xf32, #tpu.memory_space<hbm>>) target_semaphore(%run_scoped3A : memref<!tpu.dma_semaphore, #tpu.memory_space<semaphore_mem>>)
      %dma_wait3A = arith.constant 0 : i32
      %dma_wait3A_17 = tpu.memref_slice %arg6[%arg0, %mul3A_12, %dma_wait3A] : memref<2x10240x128xf32, #tpu.memory_space<hbm>> -> memref<1x640x128xf32, #tpu.memory_space<hbm>>
      %dma_wait3A_18 = tpu.memref_squeeze %dma_wait3A_17 : memref<1x640x128xf32, #tpu.memory_space<hbm>> -> memref<640x128xf32, #tpu.memory_space<hbm>>
      %dma_wait3A_19 = arith.constant 0 : i32
      %dma_wait3A_20 = tpu.memref_slice %arg10[%mul3A_10, %dma_wait3A_19] : memref<10240x128xf32, #tpu.memory_space<vmem_shared>> -> memref<640x128xf32, #tpu.memory_space<vmem_shared>>
      tpu.wait_dma2 semaphore(%run_scoped3A : memref<!tpu.dma_semaphore, #tpu.memory_space<semaphore_mem>>) src(%dma_wait3A_20 : memref<640x128xf32, #tpu.memory_space<vmem_shared>>) dst(%dma_wait3A_18 : memref<640x128xf32, #tpu.memory_space<hbm>>)
      tpu.yield
    }) : () -> ()
    "tpu.trace_stop"() : () -> ()
    return
  }
}

module attributes {stable_mosaic.version = 14 : i64} {
  func.func @body(%arg0: i32, %arg1: memref<1024x128xf32, #tpu.memory_space<vmem>>, %arg2: memref<128x128xf32, #tpu.memory_space<vmem>>, %arg3: memref<2x8x128xf32, #tpu.memory_space<vmem>>, %arg4: memref<1024x128xf32, #tpu.memory_space<vmem>>, %arg5: memref<8x128xf32, #tpu.memory_space<vmem>>) attributes {dimension_semantics = [#tpu.dimension_semantics<arbitrary>], iteration_bounds = array<i64: 10>, scalar_prefetch = 0 : i64, scratch_operands = 0 : i64, tpu.core_type = #tpu.core_type<tc>, window_params = [{transform_indices = @transform_0, window_bounds = array<i64: 1024, 128>}, {pipeline_mode = #tpu.pipeline_mode<synchronous>, transform_indices = @transform_1, window_bounds = array<i64: 128, 128>}, {transform_indices = @transform_2, window_bounds = array<i64: 2, 8, 128>}, {transform_indices = @transform_3, window_bounds = array<i64: 1024, 128>}, {transform_indices = @transform_4, window_bounds = array<i64: 8, 128>}]} {
    %get3A = arith.constant 0 : index
    %get3A_0 = arith.constant 0 : index
    %get3A_1 = arith.constant 0 : index
    %get3A_2 = vector.load %arg3[%get3A, %get3A_0, %get3A_1] : memref<2x8x128xf32, #tpu.memory_space<vmem>>, vector<1x8x128xf32>
    %get3A_3 = vector.shape_cast %get3A_2 : vector<1x8x128xf32> to vector<8x128xf32>
    %get3A_4 = arith.constant 1 : index
    %get3A_5 = arith.constant 0 : index
    %get3A_6 = arith.constant 0 : index
    %get3A_7 = vector.load %arg3[%get3A_4, %get3A_5, %get3A_6] : memref<2x8x128xf32, #tpu.memory_space<vmem>>, vector<1x8x128xf32>
    %get3A_8 = vector.shape_cast %get3A_7 : vector<1x8x128xf32> to vector<8x128xf32>
    %add3A = arith.addf %get3A_3, %get3A_8 : vector<8x128xf32>
    %add3A_9 = arith.constant 1.000000e+00 : f32
    %add3A_10 = vector.broadcast %add3A_9 : f32 to vector<8x128xf32>
    %add3A_11 = arith.addf %add3A, %add3A_10 : vector<8x128xf32>
    %rsqrt3A = math.rsqrt %add3A_11 : vector<8x128xf32>
    %swap3A = arith.constant 0 : index
    %swap3A_12 = arith.constant 0 : index
    %swap3A_13 = vector.load %arg5[%swap3A, %swap3A_12] : memref<8x128xf32, #tpu.memory_space<vmem>>, vector<8x128xf32>
    tpu.vector_store %arg5[%swap3A, %swap3A_12], %rsqrt3A {strides = array<i32>} : memref<8x128xf32, #tpu.memory_space<vmem>>, vector<8x128xf32>,
    %get3A_14 = arith.constant 0 : index
    %get3A_15 = arith.constant 0 : index
    %get3A_16 = vector.load %arg1[%get3A_14, %get3A_15] : memref<1024x128xf32, #tpu.memory_space<vmem>>, vector<1024x128xf32>
    %get3A_17 = arith.constant 0 : index
    %get3A_18 = arith.constant 0 : index
    %get3A_19 = vector.load %arg2[%get3A_17, %get3A_18] : memref<128x128xf32, #tpu.memory_space<vmem>>, vector<128x128xf32>
    %dot_general3A = arith.constant dense<0.000000e+00> : vector<1024x128xf32>
    %dot_general3A_20 = tpu.matmul %get3A_16, %get3A_19, %dot_general3A {dimension_numbers = #tpu.dot_dimension_numbers<[1], [0], [0], [1], [0, 0, 1, 1], [], []>, transpose_lhs_hint = false} : vector<1024x128xf32>, vector<128x128xf32>, vector<1024x128xf32> -> vector<1024x128xf32>
    %iota3A = tpu.iota {dimensions = array<i32: 0>} : vector<128x128xi32>
    %iota3A_21 = tpu.iota {dimensions = array<i32: 1>} : vector<128x128xi32>
    %eq3A = arith.cmpi eq, %iota3A, %iota3A_21 : vector<128x128xi32>
    %convert_element_type3A = arith.extui %eq3A : vector<128x128xi1> to vector<128x128xi32>
    %convert_element_type3A_22 = arith.sitofp %convert_element_type3A : vector<128x128xi32> to vector<128x128xf32>
    %slice3A = vector.extract_strided_slice %rsqrt3A {offsets = [0, 0], sizes = [1, 128], strides = [1, 1]} : vector<8x128xf32> to vector<1x128xf32>
    %mul3A = vector.broadcast %slice3A : vector<1x128xf32> to vector<128x128xf32>
    %mul3A_23 = arith.mulf %convert_element_type3A_22, %mul3A : vector<128x128xf32>
    %reduce_sum3A = arith.constant dense<0.000000e+00> : vector<128xf32>
    %reduce_sum3A_24 = vector.multi_reduction <add>, %mul3A_23, %reduce_sum3A [1] : vector<128x128xf32> to vector<128xf32>
    %broadcast_in_dim3A = vector.shape_cast %reduce_sum3A_24 : vector<128xf32> to vector<128x1xf32>
    %slice3A_25 = vector.extract_strided_slice %rsqrt3A {offsets = [1, 0], sizes = [1, 128], strides = [1, 1]} : vector<8x128xf32> to vector<1x128xf32>
    %mul3A_26 = vector.broadcast %slice3A_25 : vector<1x128xf32> to vector<128x128xf32>
    %mul3A_27 = arith.mulf %convert_element_type3A_22, %mul3A_26 : vector<128x128xf32>
    %reduce_sum3A_28 = arith.constant dense<0.000000e+00> : vector<128xf32>
    %reduce_sum3A_29 = vector.multi_reduction <add>, %mul3A_27, %reduce_sum3A_28 [1] : vector<128x128xf32> to vector<128xf32>
    %broadcast_in_dim3A_30 = vector.shape_cast %reduce_sum3A_29 : vector<128xf32> to vector<128x1xf32>
    %slice3A_31 = vector.extract_strided_slice %rsqrt3A {offsets = [2, 0], sizes = [1, 128], strides = [1, 1]} : vector<8x128xf32> to vector<1x128xf32>
    %mul3A_32 = vector.broadcast %slice3A_31 : vector<1x128xf32> to vector<128x128xf32>
    %mul3A_33 = arith.mulf %convert_element_type3A_22, %mul3A_32 : vector<128x128xf32>
    %reduce_sum3A_34 = arith.constant dense<0.000000e+00> : vector<128xf32>
    %reduce_sum3A_35 = vector.multi_reduction <add>, %mul3A_33, %reduce_sum3A_34 [1] : vector<128x128xf32> to vector<128xf32>
    %broadcast_in_dim3A_36 = vector.shape_cast %reduce_sum3A_35 : vector<128xf32> to vector<128x1xf32>
    %slice3A_37 = vector.extract_strided_slice %rsqrt3A {offsets = [3, 0], sizes = [1, 128], strides = [1, 1]} : vector<8x128xf32> to vector<1x128xf32>
    %mul3A_38 = vector.broadcast %slice3A_37 : vector<1x128xf32> to vector<128x128xf32>
    %mul3A_39 = arith.mulf %convert_element_type3A_22, %mul3A_38 : vector<128x128xf32>
    %reduce_sum3A_40 = arith.constant dense<0.000000e+00> : vector<128xf32>
    %reduce_sum3A_41 = vector.multi_reduction <add>, %mul3A_39, %reduce_sum3A_40 [1] : vector<128x128xf32> to vector<128xf32>
    %broadcast_in_dim3A_42 = vector.shape_cast %reduce_sum3A_41 : vector<128xf32> to vector<128x1xf32>
    %slice3A_43 = vector.extract_strided_slice %rsqrt3A {offsets = [4, 0], sizes = [1, 128], strides = [1, 1]} : vector<8x128xf32> to vector<1x128xf32>
    %mul3A_44 = vector.broadcast %slice3A_43 : vector<1x128xf32> to vector<128x128xf32>
    %mul3A_45 = arith.mulf %convert_element_type3A_22, %mul3A_44 : vector<128x128xf32>
    %reduce_sum3A_46 = arith.constant dense<0.000000e+00> : vector<128xf32>
    %reduce_sum3A_47 = vector.multi_reduction <add>, %mul3A_45, %reduce_sum3A_46 [1] : vector<128x128xf32> to vector<128xf32>
    %broadcast_in_dim3A_48 = vector.shape_cast %reduce_sum3A_47 : vector<128xf32> to vector<128x1xf32>
    %slice3A_49 = vector.extract_strided_slice %rsqrt3A {offsets = [5, 0], sizes = [1, 128], strides = [1, 1]} : vector<8x128xf32> to vector<1x128xf32>
    %mul3A_50 = vector.broadcast %slice3A_49 : vector<1x128xf32> to vector<128x128xf32>
    %mul3A_51 = arith.mulf %convert_element_type3A_22, %mul3A_50 : vector<128x128xf32>
    %reduce_sum3A_52 = arith.constant dense<0.000000e+00> : vector<128xf32>
    %reduce_sum3A_53 = vector.multi_reduction <add>, %mul3A_51, %reduce_sum3A_52 [1] : vector<128x128xf32> to vector<128xf32>
    %broadcast_in_dim3A_54 = vector.shape_cast %reduce_sum3A_53 : vector<128xf32> to vector<128x1xf32>
    %slice3A_55 = vector.extract_strided_slice %rsqrt3A {offsets = [6, 0], sizes = [1, 128], strides = [1, 1]} : vector<8x128xf32> to vector<1x128xf32>
    %mul3A_56 = vector.broadcast %slice3A_55 : vector<1x128xf32> to vector<128x128xf32>
    %mul3A_57 = arith.mulf %convert_element_type3A_22, %mul3A_56 : vector<128x128xf32>
    %reduce_sum3A_58 = arith.constant dense<0.000000e+00> : vector<128xf32>
    %reduce_sum3A_59 = vector.multi_reduction <add>, %mul3A_57, %reduce_sum3A_58 [1] : vector<128x128xf32> to vector<128xf32>
    %broadcast_in_dim3A_60 = vector.shape_cast %reduce_sum3A_59 : vector<128xf32> to vector<128x1xf32>
    %slice3A_61 = vector.extract_strided_slice %rsqrt3A {offsets = [7, 0], sizes = [1, 128], strides = [1, 1]} : vector<8x128xf32> to vector<1x128xf32>
    %mul3A_62 = vector.broadcast %slice3A_61 : vector<1x128xf32> to vector<128x128xf32>
    %mul3A_63 = arith.mulf %convert_element_type3A_22, %mul3A_62 : vector<128x128xf32>
    %reduce_sum3A_64 = arith.constant dense<0.000000e+00> : vector<128xf32>
    %reduce_sum3A_65 = vector.multi_reduction <add>, %mul3A_63, %reduce_sum3A_64 [1] : vector<128x128xf32> to vector<128xf32>
    %broadcast_in_dim3A_66 = vector.shape_cast %reduce_sum3A_65 : vector<128xf32> to vector<128x1xf32>
    %concatenate3A = tpu.concatenate %broadcast_in_dim3A, %broadcast_in_dim3A_30, %broadcast_in_dim3A_36, %broadcast_in_dim3A_42, %broadcast_in_dim3A_48, %broadcast_in_dim3A_54, %broadcast_in_dim3A_60, %broadcast_in_dim3A_66 in 0 : vector<128x1xf32>, vector<128x1xf32>, vector<128x1xf32>, vector<128x1xf32>, vector<128x1xf32>, vector<128x1xf32>, vector<128x1xf32>, vector<128x1xf32> -> vector<1024x1xf32>
    %mul3A_67 = vector.broadcast %concatenate3A : vector<1024x1xf32> to vector<1024x128xf32>
    %mul3A_68 = arith.mulf %dot_general3A_20, %mul3A_67 : vector<1024x128xf32>
    %swap3A_69 = arith.constant 0 : index
    %swap3A_70 = arith.constant 0 : index
    %swap3A_71 = vector.load %arg4[%swap3A_69, %swap3A_70] : memref<1024x128xf32, #tpu.memory_space<vmem>>, vector<1024x128xf32>
    tpu.vector_store %arg4[%swap3A_69, %swap3A_70], %mul3A_68 {strides = array<i32>} : memref<1024x128xf32, #tpu.memory_space<vmem>>, vector<1024x128xf32>,
    return
  }
  func.func @transform_0(%arg0: i32) -> (i32, i32) {
    %c0_i32 = arith.constant 0 : i32
    %c0_i32_0 = arith.constant 0 : i32
    return %arg0, %c0_i32 : i32, i32
  }
  func.func @transform_1(%arg0: i32) -> (i32, i32) {
    %c0_i32 = arith.constant 0 : i32
    %c0_i32_0 = arith.constant 0 : i32
    %c0_i32_1 = arith.constant 0 : i32
    return %c0_i32, %c0_i32_0 : i32, i32
  }
  func.func @transform_2(%arg0: i32) -> (i32, i32, i32) {
    %c0_i32 = arith.constant 0 : i32
    %c0_i32_0 = arith.constant 0 : i32
    %c0_i32_1 = arith.constant 0 : i32
    return %c0_i32, %arg0, %c0_i32_0 : i32, i32, i32
  }
  func.func @transform_3(%arg0: i32) -> (i32, i32) {
    %c0_i32 = arith.constant 0 : i32
    %c0_i32_0 = arith.constant 0 : i32
    return %arg0, %c0_i32 : i32, i32
  }
  func.func @transform_4(%arg0: i32) -> (i32, i32) {
    %c0_i32 = arith.constant 0 : i32
    %c0_i32_0 = arith.constant 0 : i32
    return %arg0, %c0_i32 : i32, i32
  }
}

module attributes {stable_mosaic.version = 14 : i64} {
  func.func @body(%arg0: i32, %arg1: memref<2x1024x128xf32, #tpu.memory_space<vmem>>, %arg2: memref<1024x128xf32, #tpu.memory_space<vmem>>, %arg3: memref<8x128xf32, #tpu.memory_space<vmem>>, %arg4: memref<1x128xf32, #tpu.memory_space<vmem>>, %arg5: memref<128x128xf32, #tpu.memory_space<vmem>>, %arg6: memref<1024x128xf32, #tpu.memory_space<vmem>>) attributes {dimension_semantics = [#tpu.dimension_semantics<arbitrary>], iteration_bounds = array<i64: 10>, scalar_prefetch = 0 : i64, scratch_operands = 0 : i64, tpu.core_type = #tpu.core_type<tc>, window_params = [{transform_indices = @transform_0, window_bounds = array<i64: 2, 1024, 128>}, {transform_indices = @transform_1, window_bounds = array<i64: 1024, 128>}, {transform_indices = @transform_2, window_bounds = array<i64: 8, 128>}, {pipeline_mode = #tpu.pipeline_mode<synchronous>, transform_indices = @transform_3, window_bounds = array<i64: 1, 128>}, {pipeline_mode = #tpu.pipeline_mode<synchronous>, transform_indices = @transform_4, window_bounds = array<i64: 128, 128>}, {transform_indices = @transform_5, window_bounds = array<i64: 1024, 128>}]} {
    %get3A = arith.constant 0 : index
    %get3A_0 = arith.constant 0 : index
    %get3A_1 = vector.load %arg3[%get3A, %get3A_0] : memref<8x128xf32, #tpu.memory_space<vmem>>, vector<8x128xf32>
    %iota3A = tpu.iota {dimensions = array<i32: 0>} : vector<128x128xi32>
    %iota3A_2 = tpu.iota {dimensions = array<i32: 1>} : vector<128x128xi32>
    %eq3A = arith.cmpi eq, %iota3A, %iota3A_2 : vector<128x128xi32>
    %convert_element_type3A = arith.extui %eq3A : vector<128x128xi1> to vector<128x128xi32>
    %convert_element_type3A_3 = arith.sitofp %convert_element_type3A : vector<128x128xi32> to vector<128x128xf32>
    %slice3A = vector.extract_strided_slice %get3A_1 {offsets = [0, 0], sizes = [1, 128], strides = [1, 1]} : vector<8x128xf32> to vector<1x128xf32>
    %mul3A = vector.broadcast %slice3A : vector<1x128xf32> to vector<128x128xf32>
    %mul3A_4 = arith.mulf %convert_element_type3A_3, %mul3A : vector<128x128xf32>
    %reduce_sum3A = arith.constant dense<0.000000e+00> : vector<128xf32>
    %reduce_sum3A_5 = vector.multi_reduction <add>, %mul3A_4, %reduce_sum3A [1] : vector<128x128xf32> to vector<128xf32>
    %broadcast_in_dim3A = vector.shape_cast %reduce_sum3A_5 : vector<128xf32> to vector<128x1xf32>
    %slice3A_6 = vector.extract_strided_slice %get3A_1 {offsets = [1, 0], sizes = [1, 128], strides = [1, 1]} : vector<8x128xf32> to vector<1x128xf32>
    %mul3A_7 = vector.broadcast %slice3A_6 : vector<1x128xf32> to vector<128x128xf32>
    %mul3A_8 = arith.mulf %convert_element_type3A_3, %mul3A_7 : vector<128x128xf32>
    %reduce_sum3A_9 = arith.constant dense<0.000000e+00> : vector<128xf32>
    %reduce_sum3A_10 = vector.multi_reduction <add>, %mul3A_8, %reduce_sum3A_9 [1] : vector<128x128xf32> to vector<128xf32>
    %broadcast_in_dim3A_11 = vector.shape_cast %reduce_sum3A_10 : vector<128xf32> to vector<128x1xf32>
    %slice3A_12 = vector.extract_strided_slice %get3A_1 {offsets = [2, 0], sizes = [1, 128], strides = [1, 1]} : vector<8x128xf32> to vector<1x128xf32>
    %mul3A_13 = vector.broadcast %slice3A_12 : vector<1x128xf32> to vector<128x128xf32>
    %mul3A_14 = arith.mulf %convert_element_type3A_3, %mul3A_13 : vector<128x128xf32>
    %reduce_sum3A_15 = arith.constant dense<0.000000e+00> : vector<128xf32>
    %reduce_sum3A_16 = vector.multi_reduction <add>, %mul3A_14, %reduce_sum3A_15 [1] : vector<128x128xf32> to vector<128xf32>
    %broadcast_in_dim3A_17 = vector.shape_cast %reduce_sum3A_16 : vector<128xf32> to vector<128x1xf32>
    %slice3A_18 = vector.extract_strided_slice %get3A_1 {offsets = [3, 0], sizes = [1, 128], strides = [1, 1]} : vector<8x128xf32> to vector<1x128xf32>
    %mul3A_19 = vector.broadcast %slice3A_18 : vector<1x128xf32> to vector<128x128xf32>
    %mul3A_20 = arith.mulf %convert_element_type3A_3, %mul3A_19 : vector<128x128xf32>
    %reduce_sum3A_21 = arith.constant dense<0.000000e+00> : vector<128xf32>
    %reduce_sum3A_22 = vector.multi_reduction <add>, %mul3A_20, %reduce_sum3A_21 [1] : vector<128x128xf32> to vector<128xf32>
    %broadcast_in_dim3A_23 = vector.shape_cast %reduce_sum3A_22 : vector<128xf32> to vector<128x1xf32>
    %slice3A_24 = vector.extract_strided_slice %get3A_1 {offsets = [4, 0], sizes = [1, 128], strides = [1, 1]} : vector<8x128xf32> to vector<1x128xf32>
    %mul3A_25 = vector.broadcast %slice3A_24 : vector<1x128xf32> to vector<128x128xf32>
    %mul3A_26 = arith.mulf %convert_element_type3A_3, %mul3A_25 : vector<128x128xf32>
    %reduce_sum3A_27 = arith.constant dense<0.000000e+00> : vector<128xf32>
    %reduce_sum3A_28 = vector.multi_reduction <add>, %mul3A_26, %reduce_sum3A_27 [1] : vector<128x128xf32> to vector<128xf32>
    %broadcast_in_dim3A_29 = vector.shape_cast %reduce_sum3A_28 : vector<128xf32> to vector<128x1xf32>
    %slice3A_30 = vector.extract_strided_slice %get3A_1 {offsets = [5, 0], sizes = [1, 128], strides = [1, 1]} : vector<8x128xf32> to vector<1x128xf32>
    %mul3A_31 = vector.broadcast %slice3A_30 : vector<1x128xf32> to vector<128x128xf32>
    %mul3A_32 = arith.mulf %convert_element_type3A_3, %mul3A_31 : vector<128x128xf32>
    %reduce_sum3A_33 = arith.constant dense<0.000000e+00> : vector<128xf32>
    %reduce_sum3A_34 = vector.multi_reduction <add>, %mul3A_32, %reduce_sum3A_33 [1] : vector<128x128xf32> to vector<128xf32>
    %broadcast_in_dim3A_35 = vector.shape_cast %reduce_sum3A_34 : vector<128xf32> to vector<128x1xf32>
    %slice3A_36 = vector.extract_strided_slice %get3A_1 {offsets = [6, 0], sizes = [1, 128], strides = [1, 1]} : vector<8x128xf32> to vector<1x128xf32>
    %mul3A_37 = vector.broadcast %slice3A_36 : vector<1x128xf32> to vector<128x128xf32>
    %mul3A_38 = arith.mulf %convert_element_type3A_3, %mul3A_37 : vector<128x128xf32>
    %reduce_sum3A_39 = arith.constant dense<0.000000e+00> : vector<128xf32>
    %reduce_sum3A_40 = vector.multi_reduction <add>, %mul3A_38, %reduce_sum3A_39 [1] : vector<128x128xf32> to vector<128xf32>
    %broadcast_in_dim3A_41 = vector.shape_cast %reduce_sum3A_40 : vector<128xf32> to vector<128x1xf32>
    %slice3A_42 = vector.extract_strided_slice %get3A_1 {offsets = [7, 0], sizes = [1, 128], strides = [1, 1]} : vector<8x128xf32> to vector<1x128xf32>
    %mul3A_43 = vector.broadcast %slice3A_42 : vector<1x128xf32> to vector<128x128xf32>
    %mul3A_44 = arith.mulf %convert_element_type3A_3, %mul3A_43 : vector<128x128xf32>
    %reduce_sum3A_45 = arith.constant dense<0.000000e+00> : vector<128xf32>
    %reduce_sum3A_46 = vector.multi_reduction <add>, %mul3A_44, %reduce_sum3A_45 [1] : vector<128x128xf32> to vector<128xf32>
    %broadcast_in_dim3A_47 = vector.shape_cast %reduce_sum3A_46 : vector<128xf32> to vector<128x1xf32>
    %concatenate3A = tpu.concatenate %broadcast_in_dim3A, %broadcast_in_dim3A_11, %broadcast_in_dim3A_17, %broadcast_in_dim3A_23, %broadcast_in_dim3A_29, %broadcast_in_dim3A_35, %broadcast_in_dim3A_41, %broadcast_in_dim3A_47 in 0 : vector<128x1xf32>, vector<128x1xf32>, vector<128x1xf32>, vector<128x1xf32>, vector<128x1xf32>, vector<128x1xf32>, vector<128x1xf32>, vector<128x1xf32> -> vector<1024x1xf32>
    %get3A_48 = arith.constant 0 : index
    %get3A_49 = arith.constant 0 : index
    %get3A_50 = arith.constant 0 : index
    %get3A_51 = vector.load %arg1[%get3A_48, %get3A_49, %get3A_50] : memref<2x1024x128xf32, #tpu.memory_space<vmem>>, vector<1x1024x128xf32>
    %get3A_52 = vector.shape_cast %get3A_51 : vector<1x1024x128xf32> to vector<1024x128xf32>
    %get3A_53 = arith.constant 1 : index
    %get3A_54 = arith.constant 0 : index
    %get3A_55 = arith.constant 0 : index
    %get3A_56 = vector.load %arg1[%get3A_53, %get3A_54, %get3A_55] : memref<2x1024x128xf32, #tpu.memory_space<vmem>>, vector<1x1024x128xf32>
    %get3A_57 = vector.shape_cast %get3A_56 : vector<1x1024x128xf32> to vector<1024x128xf32>
    %add3A = arith.addf %get3A_52, %get3A_57 : vector<1024x128xf32>
    %get3A_58 = arith.constant 0 : index
    %get3A_59 = arith.constant 0 : index
    %get3A_60 = vector.load %arg2[%get3A_58, %get3A_59] : memref<1024x128xf32, #tpu.memory_space<vmem>>, vector<1024x128xf32>
    %add3A_61 = arith.addf %add3A, %get3A_60 : vector<1024x128xf32>
    %mul3A_62 = vector.broadcast %concatenate3A : vector<1024x1xf32> to vector<1024x128xf32>
    %mul3A_63 = arith.mulf %mul3A_62, %add3A_61 : vector<1024x128xf32>
    %get3A_64 = arith.constant 0 : index
    %get3A_65 = arith.constant 0 : index
    %get3A_66 = vector.load %arg4[%get3A_64, %get3A_65] : memref<1x128xf32, #tpu.memory_space<vmem>>, vector<1x128xf32>
    %add3A_67 = vector.broadcast %get3A_66 : vector<1x128xf32> to vector<1024x128xf32>
    %add3A_68 = arith.addf %mul3A_63, %add3A_67 : vector<1024x128xf32>
    %max3A = arith.constant 0.000000e+00 : f32
    %max3A_69 = vector.broadcast %max3A : f32 to vector<1024x128xf32>
    %max3A_70 = arith.maximumf %add3A_68, %max3A_69 : vector<1024x128xf32>
    %get3A_71 = arith.constant 0 : index
    %get3A_72 = arith.constant 0 : index
    %get3A_73 = vector.load %arg5[%get3A_71, %get3A_72] : memref<128x128xf32, #tpu.memory_space<vmem>>, vector<128x128xf32>
    %dot_general3A = arith.constant dense<0.000000e+00> : vector<1024x128xf32>
    %dot_general3A_74 = tpu.matmul %max3A_70, %get3A_73, %dot_general3A {dimension_numbers = #tpu.dot_dimension_numbers<[1], [0], [0], [1], [0, 0, 1, 1], [], []>, transpose_lhs_hint = false} : vector<1024x128xf32>, vector<128x128xf32>, vector<1024x128xf32> -> vector<1024x128xf32>
    %mul3A_75 = vector.broadcast %concatenate3A : vector<1024x1xf32> to vector<1024x128xf32>
    %mul3A_76 = arith.mulf %dot_general3A_74, %mul3A_75 : vector<1024x128xf32>
    %swap3A = arith.constant 0 : index
    %swap3A_77 = arith.constant 0 : index
    %swap3A_78 = vector.load %arg6[%swap3A, %swap3A_77] : memref<1024x128xf32, #tpu.memory_space<vmem>>, vector<1024x128xf32>
    tpu.vector_store %arg6[%swap3A, %swap3A_77], %mul3A_76 {strides = array<i32>} : memref<1024x128xf32, #tpu.memory_space<vmem>>, vector<1024x128xf32>,
    return
  }
  func.func @transform_0(%arg0: i32) -> (i32, i32, i32) {
    %c0_i32 = arith.constant 0 : i32
    %c0_i32_0 = arith.constant 0 : i32
    %c0_i32_1 = arith.constant 0 : i32
    return %c0_i32, %arg0, %c0_i32_0 : i32, i32, i32
  }
  func.func @transform_1(%arg0: i32) -> (i32, i32) {
    %c0_i32 = arith.constant 0 : i32
    %c0_i32_0 = arith.constant 0 : i32
    return %arg0, %c0_i32 : i32, i32
  }
  func.func @transform_2(%arg0: i32) -> (i32, i32) {
    %c0_i32 = arith.constant 0 : i32
    %c0_i32_0 = arith.constant 0 : i32
    return %arg0, %c0_i32 : i32, i32
  }
  func.func @transform_3(%arg0: i32) -> (i32, i32) {
    %c0_i32 = arith.constant 0 : i32
    %c0_i32_0 = arith.constant 0 : i32
    %c0_i32_1 = arith.constant 0 : i32
    return %c0_i32, %c0_i32_0 : i32, i32
  }
  func.func @transform_4(%arg0: i32) -> (i32, i32) {
    %c0_i32 = arith.constant 0 : i32
    %c0_i32_0 = arith.constant 0 : i32
    %c0_i32_1 = arith.constant 0 : i32
    return %c0_i32, %c0_i32_0 : i32, i32
  }
  func.func @transform_5(%arg0: i32) -> (i32, i32) {
    %c0_i32 = arith.constant 0 : i32
    %c0_i32_0 = arith.constant 0 : i32
    return %arg0, %c0_i32 : i32, i32
  }
}

module attributes {stable_mosaic.version = 14 : i64} {
  func.func @body(%arg0: i32, %arg1: memref<2x1024x128xf32, #tpu.memory_space<vmem>>, %arg2: memref<1024x128xf32, #tpu.memory_space<vmem>>, %arg3: memref<8x128xf32, #tpu.memory_space<vmem>>, %arg4: memref<1x128xf32, #tpu.memory_space<vmem>>, %arg5: memref<1024x128xf32, #tpu.memory_space<vmem>>) attributes {dimension_semantics = [#tpu.dimension_semantics<arbitrary>], iteration_bounds = array<i64: 10>, scalar_prefetch = 0 : i64, scratch_operands = 0 : i64, tpu.core_type = #tpu.core_type<tc>, window_params = [{transform_indices = @transform_0, window_bounds = array<i64: 2, 1024, 128>}, {transform_indices = @transform_1, window_bounds = array<i64: 1024, 128>}, {transform_indices = @transform_2, window_bounds = array<i64: 8, 128>}, {pipeline_mode = #tpu.pipeline_mode<synchronous>, transform_indices = @transform_3, window_bounds = array<i64: 1, 128>}, {transform_indices = @transform_4, window_bounds = array<i64: 1024, 128>}]} {
    %get3A = arith.constant 0 : index
    %get3A_0 = arith.constant 0 : index
    %get3A_1 = vector.load %arg3[%get3A, %get3A_0] : memref<8x128xf32, #tpu.memory_space<vmem>>, vector<8x128xf32>
    %iota3A = tpu.iota {dimensions = array<i32: 0>} : vector<128x128xi32>
    %iota3A_2 = tpu.iota {dimensions = array<i32: 1>} : vector<128x128xi32>
    %eq3A = arith.cmpi eq, %iota3A, %iota3A_2 : vector<128x128xi32>
    %convert_element_type3A = arith.extui %eq3A : vector<128x128xi1> to vector<128x128xi32>
    %convert_element_type3A_3 = arith.sitofp %convert_element_type3A : vector<128x128xi32> to vector<128x128xf32>
    %slice3A = vector.extract_strided_slice %get3A_1 {offsets = [0, 0], sizes = [1, 128], strides = [1, 1]} : vector<8x128xf32> to vector<1x128xf32>
    %mul3A = vector.broadcast %slice3A : vector<1x128xf32> to vector<128x128xf32>
    %mul3A_4 = arith.mulf %convert_element_type3A_3, %mul3A : vector<128x128xf32>
    %reduce_sum3A = arith.constant dense<0.000000e+00> : vector<128xf32>
    %reduce_sum3A_5 = vector.multi_reduction <add>, %mul3A_4, %reduce_sum3A [1] : vector<128x128xf32> to vector<128xf32>
    %broadcast_in_dim3A = vector.shape_cast %reduce_sum3A_5 : vector<128xf32> to vector<128x1xf32>
    %slice3A_6 = vector.extract_strided_slice %get3A_1 {offsets = [1, 0], sizes = [1, 128], strides = [1, 1]} : vector<8x128xf32> to vector<1x128xf32>
    %mul3A_7 = vector.broadcast %slice3A_6 : vector<1x128xf32> to vector<128x128xf32>
    %mul3A_8 = arith.mulf %convert_element_type3A_3, %mul3A_7 : vector<128x128xf32>
    %reduce_sum3A_9 = arith.constant dense<0.000000e+00> : vector<128xf32>
    %reduce_sum3A_10 = vector.multi_reduction <add>, %mul3A_8, %reduce_sum3A_9 [1] : vector<128x128xf32> to vector<128xf32>
    %broadcast_in_dim3A_11 = vector.shape_cast %reduce_sum3A_10 : vector<128xf32> to vector<128x1xf32>
    %slice3A_12 = vector.extract_strided_slice %get3A_1 {offsets = [2, 0], sizes = [1, 128], strides = [1, 1]} : vector<8x128xf32> to vector<1x128xf32>
    %mul3A_13 = vector.broadcast %slice3A_12 : vector<1x128xf32> to vector<128x128xf32>
    %mul3A_14 = arith.mulf %convert_element_type3A_3, %mul3A_13 : vector<128x128xf32>
    %reduce_sum3A_15 = arith.constant dense<0.000000e+00> : vector<128xf32>
    %reduce_sum3A_16 = vector.multi_reduction <add>, %mul3A_14, %reduce_sum3A_15 [1] : vector<128x128xf32> to vector<128xf32>
    %broadcast_in_dim3A_17 = vector.shape_cast %reduce_sum3A_16 : vector<128xf32> to vector<128x1xf32>
    %slice3A_18 = vector.extract_strided_slice %get3A_1 {offsets = [3, 0], sizes = [1, 128], strides = [1, 1]} : vector<8x128xf32> to vector<1x128xf32>
    %mul3A_19 = vector.broadcast %slice3A_18 : vector<1x128xf32> to vector<128x128xf32>
    %mul3A_20 = arith.mulf %convert_element_type3A_3, %mul3A_19 : vector<128x128xf32>
    %reduce_sum3A_21 = arith.constant dense<0.000000e+00> : vector<128xf32>
    %reduce_sum3A_22 = vector.multi_reduction <add>, %mul3A_20, %reduce_sum3A_21 [1] : vector<128x128xf32> to vector<128xf32>
    %broadcast_in_dim3A_23 = vector.shape_cast %reduce_sum3A_22 : vector<128xf32> to vector<128x1xf32>
    %slice3A_24 = vector.extract_strided_slice %get3A_1 {offsets = [4, 0], sizes = [1, 128], strides = [1, 1]} : vector<8x128xf32> to vector<1x128xf32>
    %mul3A_25 = vector.broadcast %slice3A_24 : vector<1x128xf32> to vector<128x128xf32>
    %mul3A_26 = arith.mulf %convert_element_type3A_3, %mul3A_25 : vector<128x128xf32>
    %reduce_sum3A_27 = arith.constant dense<0.000000e+00> : vector<128xf32>
    %reduce_sum3A_28 = vector.multi_reduction <add>, %mul3A_26, %reduce_sum3A_27 [1] : vector<128x128xf32> to vector<128xf32>
    %broadcast_in_dim3A_29 = vector.shape_cast %reduce_sum3A_28 : vector<128xf32> to vector<128x1xf32>
    %slice3A_30 = vector.extract_strided_slice %get3A_1 {offsets = [5, 0], sizes = [1, 128], strides = [1, 1]} : vector<8x128xf32> to vector<1x128xf32>
    %mul3A_31 = vector.broadcast %slice3A_30 : vector<1x128xf32> to vector<128x128xf32>
    %mul3A_32 = arith.mulf %convert_element_type3A_3, %mul3A_31 : vector<128x128xf32>
    %reduce_sum3A_33 = arith.constant dense<0.000000e+00> : vector<128xf32>
    %reduce_sum3A_34 = vector.multi_reduction <add>, %mul3A_32, %reduce_sum3A_33 [1] : vector<128x128xf32> to vector<128xf32>
    %broadcast_in_dim3A_35 = vector.shape_cast %reduce_sum3A_34 : vector<128xf32> to vector<128x1xf32>
    %slice3A_36 = vector.extract_strided_slice %get3A_1 {offsets = [6, 0], sizes = [1, 128], strides = [1, 1]} : vector<8x128xf32> to vector<1x128xf32>
    %mul3A_37 = vector.broadcast %slice3A_36 : vector<1x128xf32> to vector<128x128xf32>
    %mul3A_38 = arith.mulf %convert_element_type3A_3, %mul3A_37 : vector<128x128xf32>
    %reduce_sum3A_39 = arith.constant dense<0.000000e+00> : vector<128xf32>
    %reduce_sum3A_40 = vector.multi_reduction <add>, %mul3A_38, %reduce_sum3A_39 [1] : vector<128x128xf32> to vector<128xf32>
    %broadcast_in_dim3A_41 = vector.shape_cast %reduce_sum3A_40 : vector<128xf32> to vector<128x1xf32>
    %slice3A_42 = vector.extract_strided_slice %get3A_1 {offsets = [7, 0], sizes = [1, 128], strides = [1, 1]} : vector<8x128xf32> to vector<1x128xf32>
    %mul3A_43 = vector.broadcast %slice3A_42 : vector<1x128xf32> to vector<128x128xf32>
    %mul3A_44 = arith.mulf %convert_element_type3A_3, %mul3A_43 : vector<128x128xf32>
    %reduce_sum3A_45 = arith.constant dense<0.000000e+00> : vector<128xf32>
    %reduce_sum3A_46 = vector.multi_reduction <add>, %mul3A_44, %reduce_sum3A_45 [1] : vector<128x128xf32> to vector<128xf32>
    %broadcast_in_dim3A_47 = vector.shape_cast %reduce_sum3A_46 : vector<128xf32> to vector<128x1xf32>
    %concatenate3A = tpu.concatenate %broadcast_in_dim3A, %broadcast_in_dim3A_11, %broadcast_in_dim3A_17, %broadcast_in_dim3A_23, %broadcast_in_dim3A_29, %broadcast_in_dim3A_35, %broadcast_in_dim3A_41, %broadcast_in_dim3A_47 in 0 : vector<128x1xf32>, vector<128x1xf32>, vector<128x1xf32>, vector<128x1xf32>, vector<128x1xf32>, vector<128x1xf32>, vector<128x1xf32>, vector<128x1xf32> -> vector<1024x1xf32>
    %get3A_48 = arith.constant 0 : index
    %get3A_49 = arith.constant 0 : index
    %get3A_50 = arith.constant 0 : index
    %get3A_51 = vector.load %arg1[%get3A_48, %get3A_49, %get3A_50] : memref<2x1024x128xf32, #tpu.memory_space<vmem>>, vector<1x1024x128xf32>
    %get3A_52 = vector.shape_cast %get3A_51 : vector<1x1024x128xf32> to vector<1024x128xf32>
    %get3A_53 = arith.constant 1 : index
    %get3A_54 = arith.constant 0 : index
    %get3A_55 = arith.constant 0 : index
    %get3A_56 = vector.load %arg1[%get3A_53, %get3A_54, %get3A_55] : memref<2x1024x128xf32, #tpu.memory_space<vmem>>, vector<1x1024x128xf32>
    %get3A_57 = vector.shape_cast %get3A_56 : vector<1x1024x128xf32> to vector<1024x128xf32>
    %add3A = arith.addf %get3A_52, %get3A_57 : vector<1024x128xf32>
    %get3A_58 = arith.constant 0 : index
    %get3A_59 = arith.constant 0 : index
    %get3A_60 = vector.load %arg2[%get3A_58, %get3A_59] : memref<1024x128xf32, #tpu.memory_space<vmem>>, vector<1024x128xf32>
    %add3A_61 = arith.addf %add3A, %get3A_60 : vector<1024x128xf32>
    %mul3A_62 = vector.broadcast %concatenate3A : vector<1024x1xf32> to vector<1024x128xf32>
    %mul3A_63 = arith.mulf %mul3A_62, %add3A_61 : vector<1024x128xf32>
    %get3A_64 = arith.constant 0 : index
    %get3A_65 = arith.constant 0 : index
    %get3A_66 = vector.load %arg4[%get3A_64, %get3A_65] : memref<1x128xf32, #tpu.memory_space<vmem>>, vector<1x128xf32>
    %add3A_67 = vector.broadcast %get3A_66 : vector<1x128xf32> to vector<1024x128xf32>
    %add3A_68 = arith.addf %mul3A_63, %add3A_67 : vector<1024x128xf32>
    %swap3A = arith.constant 0 : index
    %swap3A_69 = arith.constant 0 : index
    %swap3A_70 = vector.load %arg5[%swap3A, %swap3A_69] : memref<1024x128xf32, #tpu.memory_space<vmem>>, vector<1024x128xf32>
    tpu.vector_store %arg5[%swap3A, %swap3A_69], %add3A_68 {strides = array<i32>} : memref<1024x128xf32, #tpu.memory_space<vmem>>, vector<1024x128xf32>,
    return
  }
  func.func @transform_0(%arg0: i32) -> (i32, i32, i32) {
    %c0_i32 = arith.constant 0 : i32
    %c0_i32_0 = arith.constant 0 : i32
    %c0_i32_1 = arith.constant 0 : i32
    return %c0_i32, %arg0, %c0_i32_0 : i32, i32, i32
  }
  func.func @transform_1(%arg0: i32) -> (i32, i32) {
    %c0_i32 = arith.constant 0 : i32
    %c0_i32_0 = arith.constant 0 : i32
    return %arg0, %c0_i32 : i32, i32
  }
  func.func @transform_2(%arg0: i32) -> (i32, i32) {
    %c0_i32 = arith.constant 0 : i32
    %c0_i32_0 = arith.constant 0 : i32
    return %arg0, %c0_i32 : i32, i32
  }
  func.func @transform_3(%arg0: i32) -> (i32, i32) {
    %c0_i32 = arith.constant 0 : i32
    %c0_i32_0 = arith.constant 0 : i32
    %c0_i32_1 = arith.constant 0 : i32
    return %c0_i32, %c0_i32_0 : i32, i32
  }
  func.func @transform_4(%arg0: i32) -> (i32, i32) {
    %c0_i32 = arith.constant 0 : i32
    %c0_i32_0 = arith.constant 0 : i32
    return %arg0, %c0_i32 : i32, i32
  }
}

</mosaic_0001>

<sc_bundles>
// kernel: kernel.11.cloned.1.call-start
scs
__scs_entry_jumppad:
0x0: {  	(pc) =	sbr.rel $0x88, $3  }
0x1: {  	(tag) =	ssettag $0x0;
	lr =	simm.s32 $0x1  }
0x2: {  	[smem:$0x3F9B] =	sst lr;
	_ =	strace $0xD0000000  }
0x3: {  	_ = 	snop  }
0x4: {  	_ = 	snop  }
0x5: {  	_ = 	snop  }
0x6: {  	_ = 	snop  }
0x7: {  	_ = 	snop  }
__scs_overlays_trampoline_lowered:
0x8: {  	[smem:$0x3FAA] =	sst s0  }
0x9: {  	[smem:$0x3FAB] =	sst s1  }
0xa: {  	[smem:$0x3FAC] =	sst s2  }
0xb: {  	[smem:$0x3FAD] =	sst s3  }
0xc: {  	[smem:$0x3FAE] =	sst s4  }
0xd: {  	[smem:$0x3FAF] =	sst s5  }
0xe: {  	[smem:$0x3FB0] =	sst s6  }
0xf: {  	[smem:$0x3FB1] =	sst s7  }
0x10: {  	[smem:$0x3FB2] =	sst s8  }
0x11: {  	[smem:$0x3FB3] =	sst s9;
	s0 =	simm.s32 @!p0 $0x0  }
0x12: {  	s1 =	sld [smem:$0x3F99];
	s0 =	simm.s32 @p0 $0x1  }
0x13: {  	[smem:$0x3FB4] =	sst s0;
	s0 =	simm.s32 @!p1 $0x0  }
0x14: {  	s2 =	sld [smem:$0x3F98];
	s0 =	simm.s32 @p1 $0x1  }
0x15: {  	[smem:$0x3FB5] =	sst s0;
	s0 =	simm.s32 @!p2 $0x0  }
0x16: {  	s3 =	sld [smem:$0x3FDB];
	s0 =	simm.s32 @p2 $0x1  }
0x17: {  	s4 =	simm.s32 $0x1BF5;
	[smem:$0x3FB7] =	sst s0  }
0x18: {  	s0 =	sld [smem:$0x3F9A];
	_ =	swait.ge [sflag:s4], $0x0  }
0x19: {  	s7 =	sld [smem:$0x3F9B]  }
0x1a: {  	s8 =	sadd.s32 $0xFFFFE003, lr  }
0x1b: {  	s9 =	sadd.s32 $0xFFFFFEF7, lr;
	s5 =	simm.s32 $0xFFFFFFFF;
	p2 =	slt.u32 s8, $0xFFFFF086  }
0x1c: {  	p1 =	slt.u32 s9, $0xF7A;
	s5 =	simm.s32 @!p2 $0x0  }
0x1d: {  	s5 =	simm.s32 @p1 $0x1;
	p0 =	seq.s32 s7, s2  }
0x1e: {  	s7 =	smul.u32 @!p0 $0xF7A, s2;
	p2 =	seq.s32 @!p0 s5, $0x0  }
0x1f: {  	s9 =	smul.u32 $0xF7A, s1;
	s8 =	simm.s32 @!p0 $0x1BF5;
	p2 =	por !p2, p0  }
0x20: {  	[sflag:s8] =	ssyncset.s32 @!p0 $0xFFFFF086;
	s6 =	sadd.s32 @!p0 s3, s7;
	s7 =	simm.s32 @!p0 $0x108  }
0x21: {  	s3 =	sadd.s32 s3, s9;
	s6 =	sadd.s32 @!p0 $0x88, s6;
	s7 =	simm.s32 @p2 $0x1082  }
0x22: {  	[simem:s7], [sflag:s8] =	dma.local @!p0 [hbm:s6], $0xF7A  }
0x23: {  	s9 =	sor.u32 $0xD0000000, s2;
	s6 =	simm.s32 $0x108;
	_ =	swait.ge @!p0 [sflag:s8], $0x0  }
0x24: {  	s3 =	sadd.s32 $0x88, s3;
	s6 =	simm.s32 @!p1 $0x1082;
	[sflag:s4] =	ssyncset.s32 $0xFFFFF086  }
0x25: {  	[simem:s6], [sflag:s4] =	dma.local [hbm:s3], $0xF7A  }
0x26: {  	[smem:$0x3F9B] =	sst s1;
	(tag) =	ssettag s2;
	_ =	strace s9  }
0x27: {  	s1 =	sld [smem:$0x3FAB]  }
0x28: {  	s2 =	sld [smem:$0x3FAC]  }
0x29: {  	s4 =	sld [smem:$0x3FAE]  }
0x2a: {  	p0 =	seq.s32 s5, $0x0;
	s5 =	sld [smem:$0x3FAF]  }
0x2b: {  	s6 =	sld [smem:$0x3FB0]  }
0x2c: {  	s7 =	sld [smem:$0x3FB1]  }
0x2d: {  	s3 =	simm.s32 $0x108;
	s8 =	sld [smem:$0x3FB2]  }
0x2e: {  	s3 =	simm.s32 @!p0 $0x1082;
	s9 =	sld [smem:$0x3FB3]  }
0x2f: {  	lr =	sadd.s32 s0, s3;
	s0 =	sld [smem:$0x3FAA]  }
0x30: {  	s3 =	sld [smem:$0x3FAD]  }
0x31: {  	[smem:$0x3FB6] =	sst s10  }
0x32: {  	s10 =	sld [smem:$0x3FB4];
	_ =	sdelay $0x3  }
0x33: {  	p0 =	seq.s32 s10, $0x1;
	s10 =	sld [smem:$0x3FB6];
	_ =	sdelay $0x3  }
0x34: {  	[smem:$0x3FB6] =	sst s10  }
0x35: {  	s10 =	sld [smem:$0x3FB5];
	_ =	sdelay $0x3  }
0x36: {  	p1 =	seq.s32 s10, $0x1;
	s10 =	sld [smem:$0x3FB6];
	_ =	sdelay $0x3  }
0x37: {  	[smem:$0x3FB6] =	sst s10  }
0x38: {  	s10 =	sld [smem:$0x3FB7]  }
0x39: {  	_ = 	snop;
	(pc) =	sbr.ind lr, $3  }
0x3a: {  	_ = 	snop  }
0x3b: {  	_ = 	snop  }
0x3c: {  	p2 =	seq.s32 s10, $0x1;
	s10 =	sld [smem:$0x3FB6]  }
0x3d: {  	_ =	shalt  }
0x3e: {  	_ =	shalt  }
0x3f: {  	_ =	shalt  }
0x40: {  	_ =	shalt  }
0x41: {  	_ =	shalt  }
0x42: {  	_ =	shalt  }
0x43: {  	_ =	shalt  }
0x44: {  	_ =	shalt  }
0x45: {  	_ =	shalt  }
0x46: {  	_ =	shalt  }
0x47: {  	_ =	shalt  }
0x48: {  	_ =	shalt  }
0x49: {  	_ =	shalt  }
0x4a: {  	_ =	shalt  }
0x4b: {  	_ =	shalt  }
0x4c: {  	_ =	shalt  }
0x4d: {  	_ =	shalt  }
0x4e: {  	_ =	shalt  }
0x4f: {  	_ =	shalt  }
0x50: {  	_ =	shalt  }
0x51: {  	_ =	shalt  }
0x52: {  	_ =	shalt  }
0x53: {  	_ =	shalt  }
0x54: {  	_ =	shalt  }
0x55: {  	_ =	shalt  }
0x56: {  	_ =	shalt  }
0x57: {  	_ =	shalt  }
0x58: {  	_ =	shalt  }
0x59: {  	_ =	shalt  }
0x5a: {  	_ =	shalt  }
0x5b: {  	_ =	shalt  }
0x5c: {  	_ =	shalt  }
0x5d: {  	_ =	shalt  }
0x5e: {  	_ =	shalt  }
0x5f: {  	_ =	shalt  }
0x60: {  	_ =	shalt  }
0x61: {  	_ =	shalt  }
0x62: {  	_ =	shalt  }
0x63: {  	_ =	shalt  }
0x64: {  	_ =	shalt  }
0x65: {  	_ =	shalt  }
0x66: {  	_ =	shalt  }
0x67: {  	_ =	shalt  }
0x68: {  	_ =	shalt  }
0x69: {  	_ =	shalt  }
0x6a: {  	_ =	shalt  }
0x6b: {  	_ =	shalt  }
0x6c: {  	_ =	shalt  }
0x6d: {  	_ =	shalt  }
0x6e: {  	_ =	shalt  }
0x6f: {  	_ =	shalt  }
0x70: {  	_ =	shalt  }
0x71: {  	_ =	shalt  }
0x72: {  	_ =	shalt  }
0x73: {  	_ =	shalt  }
0x74: {  	_ =	shalt  }
0x75: {  	_ =	shalt  }
0x76: {  	_ =	shalt  }
0x77: {  	_ =	shalt  }
0x78: {  	_ =	shalt  }
0x79: {  	_ =	shalt  }
0x7a: {  	_ =	shalt  }
0x7b: {  	_ =	shalt  }
0x7c: {  	_ =	shalt  }
0x7d: {  	_ =	shalt  }
0x7e: {  	_ =	shalt  }
0x7f: {  	_ =	shalt  }
0x80: {  	_ =	shalt  }
0x81: {  	_ =	shalt  }
0x82: {  	_ =	shalt  }
0x83: {  	_ =	shalt  }
0x84: {  	_ =	shalt  }
0x85: {  	_ =	shalt  }
0x86: {  	_ =	shalt  }
0x87: {  	_ =	shalt  }
.Lfunc_end0:
.L_simem_size_0:
called_computation.1_lowered:
.L_overlay_start_0:
0x88: {  	s2 =	sld [smem:$0x3FD9]  }
0x89: {  	s3 =	sld [smem:$0x3FFE];
	_ =	sdelay $0x1  }
0x8a: {  	s1 =	srdreg.scid  }
0x8b: {  	s0 =	sand.u32 $0x1, s1  }
0x8c: {  	s17 =	sshll.u32 s0, $0xA;
	s2 =	sadd.s32 s3, s2  }
0x8d: {  	s2 =	sadd.s32 s2, s17  }
0x8e: {  	[smem:$0x3FC2] =	sst s2  }
0x8f: {  	_ = 	snop  }
0x90: {  	s2 =	sld [smem:$0x3FD0];
	(tm) =	ssettm $0x1  }
0x91: {  	s18 =	sld [smem:$0x3FFB];
	_ =	sdelay $0x3  }
0x92: {  	_ =	strace s18  }
0x93: {  	s3 =	sld [smem:$0x3FFC];
	_ =	sdelay $0x3  }
0x94: {  	_ =	strace s3  }
0x95: {  	s3 =	sld [smem:$0x3FFD];
	_ =	sdelay $0x3  }
0x96: {  	_ =	strace s3  }
0x97: {  	_ =	strace $0x8FFFFFFF  }
0x98: {  	s19 =	sld [smem:$0x3FDB];
	_ =	sdelay $0x1  }
0x99: {  	s4 =	simm.s32 $_scs_section_size  }
0x9a: {  	s5 =	simm.s32 $_size__tile_overlayer_lowered;
	s6 =	simm.s32 $_tile_overlayer_lowered  }
0x9b: {  	s22 =	simm.s32 $0x1BFF;
	s21 =	sshll.u32 s6, $0x1;
	s3 =	sadd.s32 s4, s19  }
0x9c: {  	s7 =	simm.s32 $0x0;
	s20 =	sshll.u32 s5, $0x1;
	s5 =	sadd.s32 s21, s3  }
0x9d: {  	[timem:s7], [sflag:s22] =	dma.local [hbm:s5], s20  }
0x9e: {  	_ =	swait.ge [sflag:s22], s20  }
0x9f: {  	s4 =	ssub.s32 $0x0, s20;
	[sflag:s22] =	ssyncset.done $0x0  }
0xa0: {  	[sflag:s22] =	ssyncadd.s32 s4;
	_ =	sdelay $0x1  }
0xa1: {  	s23 =	simm.s32 $0x1B8B  }
0xa2: {  	_ =	swait.ge [sflag:s23], $0x1  }
0xa3: {  	[sflag:s23] =	ssyncset.done $0x0  }
0xa4: {  	s25 =	simm.s32 $0x1B8E;
	s24 =	sld [smem:$0x3FFE];
	[sflag:s23] =	ssyncadd.s32 $0xFFFFFFFF  }
0xa5: {  	s26 =	simm.s32 $execute0_lowered;
	[smem:$0x3FD2] =	sst s25  }
0xa6: {  	s5 =	sshll.u32 s26, $0x1;
	_ =	strace $0x80000049;
	[dreg:$0x1] =	wrdreg $0xFFFFFFFF  }
0xa7: {  	s28 =	simm.s32 $_size_execute0_lowered;
	s3 =	sadd.s32 s3, s5;
	[dreg:$0x0] =	wrdreg $0x0  }
0xa8: {  	s5 =	sshll.u32 s28, $0x1;
	[dreg:$0x2] =	wrdreg s3  }
0xa9: {  	[dreg:$0x3] =	wrdreg s5  }
0xaa: {  	[dreg:$0x4] =	wrdreg $0xC0  }
0xab: {  	_ =	task [dreg:s7], $0x5FFFF  }
0xac: {  	[dreg:$0x1] =	wrdreg $0xFFFFFFFF  }
0xad: {  	[dreg:$0x0] =	wrdreg $0x60  }
0xae: {  	[dreg:$0x2] =	wrdreg s24  }
0xaf: {  	[dreg:$0x3] =	wrdreg s2  }
0xb0: {  	[dreg:$0x4] =	wrdreg $0xA8000  }
0xb1: {  	[dreg:$0x5] =	wrdreg $0x9  }
0xb2: {  	_ =	task.clear_ibuf [dreg:s7], $0x6FFFF;
	_ =	strace $0x90000049  }
0xb3: {  	s29 =	simm.s32 $0x9;
	_ =	strace $0x8000004E  }
0xb4: {  	_ =	swait.ge [sflag:s29], $0x1  }
0xb5: {  	[sflag:s29] =	ssyncadd.s32 $0xFFFFFFFF  }
0xb6: {  	_ =	strace $0x9000004E  }
0xb7: {  	_ =	sfence  }
0xb8: {  	s30 =	sld [smem:$0x0];
	_ =	sdelay $0x2  }
0xb9: {  	s31 =	sshll.u32 s1, $0xD;
	s1 =	sshrl.u32 s1, $0x2  }
0xba: {  	s3 =	sand.u32 $0x4000, s31;
	s1 =	sadd.s32 s1, s30  }
0xbb: {  	s0 =	sor.u32 s3, s0;
	s1 =	sshll.u32 s1, $0x11  }
0xbc: {  	s0 =	sor.u32 s1, s0  }
0xbd: {  	s0 =	sadd.s32 $0x8F2B, s0  }
0xbe: {  	[sflag:s0] =	ssyncadd.remote.s32 $0x1  }
0xbf: {  	_ =	sfence.sel $0xFFFF  }
0xc0: {  	[dreg:$0x0] =	wrdreg $0xFFFFFFFF;
	(pc) =	sbr.abs _section_cstart, $3  }
0xc1: {  	[dreg:$0x1] =	wrdreg $0xFFFFFFFF  }
0xc2: {  	_ =	task.clear_ibuf [dreg:s7], $0x2FFFF;
	_ =	strace $0x9FFFFFFF  }
0xc3: {  	(tm) =	ssettm $0x7FFFFFFF  }
tec
execute0_lowered:
.L_overlay_start_1:
0x0: {  	(tag) =	ssettag $0x1  }
0x1: {  	s6 =	rddreg [dreg:$0x0]  }
0x2: {  	s11 =	rddreg [dreg:$0x1]  }
0x3: {  	s1 =	rddreg [dreg:$0x2]  }
0x4: {  	s0 =	rddreg [dreg:$0x3]  }
0x5: {  	s3 =	simm.s32 $0x0;
	s2 =	srdreg.scid;
	s15 =	simm.s32 $0x2800  }
0x6: {  	s16 =	simm.s32 $0x80;
	s17 =	simm.s32 $0x1;
	s18 =	simm.s32 $0x0  }
0x7: {  	[smem:$0x7FF] =	sst s3;
	s7 =	sand.u32 $0x1, s2;
	s2 =	stileid.u32  }
0x8: {  	s4 =	sadd.s32 $0xE000, s6;
	s10 =	sadd.s32 $0x4000, s6;
	s8 =	smul.u32 $0x140000, s7  }
0x9: {  	s5 =	sadd.s32 $0x36000, s6;
	_ =	strace $0x8000004A;
	s9 =	smul.u32 $0x14000, s2  }
0xa: {  	s12 =	sshll.u32 s7, $0x4;
	s29 =	smul.u32 $0x50000, s2;
	s7 =	ssub.s32 $0x2, s7  }
0xb: {  	s14 =	sshll.u32 s2, $0x6;
	s28 =	sor.u32 s2, s12;
	s30 =	sshrl.u32 s7, $0x1  }
0xc: {  	s8 =	sadd.s32 s9, s8;
	s9 =	smul.u32 $0x2800, s28;
	s12 =	sshrl.u32 s29, $0x2  }
0xd: {  	s7 =	ssub.s32 s7, s30;
	s8 =	sshrl.u32 s8, $0x3;
	s13 =	sadd.s32 s12, s1  }
0xe: {  	s7 =	smax.u32 s7, $0x1;
	s6 =	sadd.s32 s8, s6;
	s31 =	sshrl.u32 s9, $0x3  }
0xf: {  	s13 =	sshrl.u32 s13, $0x3;
	s6 =	sadd.s32 $0x38800, s6;
	s12 =	sadd.s32 $0x280, s31  }
0x10: {  	s8 =	sadd.s32 s10, s31;
	s9 =	sadd.s32 s11, s31;
	s10 =	sadd.s32 s10, s12  }
0x11: {  	s11 =	sadd.s32 s11, s12;
	s12 =	sor.u32 $0x1C02, s14;
	s14 =	simm.s32 $0x2  }
.LBB2_1:
0x12: {  	_ =	strace $0x8000004B  }
0x13: {  	[spmem:s13], [sflag:s12] =	dma.local [hbm:s5], $0x2800  }
0x14: {  	_ =	swait.ge [sflag:s14], $0x2800  }
0x15: {  	[sflag:s14] =	ssyncset.done $0x0  }
0x16: {  	[sflag:s14] =	ssyncadd.s32 $0xFFFFD800  }
0x17: {  	[bflag:$0x0] =	sbarrier.arrive $0xFFFF  }
0x18: {  	_ =	strace $0x9000004B  }
0x19: {  	_ =	strace $0x8000004C  }
0x1a: {  	[tilespmem:s3], [sflag:$0x2] =	stream.linear.gather [hbm4b:s8+s3], $0x1400, $0x200038;
	[tilespmem:$0x1E800] =	vst v63  }
0x1b: {  	_ =	swait.ge [sflag:s14], $0x1400  }
0x1c: {  	[sflag:s14] =	ssyncset.done $0x0  }
0x1d: {  	s19 =	simm.s32 $0x1400;
	[sflag:s14] =	ssyncadd.s32 $0xFFFFEC00  }
0x1e: {  	[tilespmem:s19], [sflag:$0x2] =	stream.linear.gather [hbm4b:s9+s3], $0x1400, $0x200038;
	[tilespmem:$0x1E800] =	vst v63  }
0x1f: {  	_ =	swait.ge [sflag:s14], $0x1400  }
0x20: {  	s20 =	simm.s32 $0x4000;
	[sflag:s14] =	ssyncset.done $0x0  }
0x21: {  	s20 =	sand.u32 $0x4000, s20;
	[sflag:s14] =	ssyncadd.s32 $0xFFFFEC00  }
0x22: {  	[tilespmem:s15], [sflag:$0x1] =	stream.indirect.gather [hbm4b:s4+s16], $0x80, s3, s16, $0x2000b8;
	[tilespmem:$0x1E800] =	vst v63  }
0x23: {  	s20 =	sor.u32 $0x2800, s20  }
0x24: {  	[tilespmem:s20], [sflag:$0x1] =	stream.indirect.gather [hbm4b:s4+s16], $0x80, s16, s16, $0x2000b8;
	[tilespmem:$0x1E800] =	vst v63  }
0x25: {  	s31 =	simm.s32 $0x0;
	_ =	swait.ge [sflag:s17], $0x4000  }
0x26: {  	s20 =	sand.u32 $0x4000, s31;
	[sflag:s17] =	ssyncset.done $0x0  }
0x27: {  	s21 =	simm.s32 $0x8000;
	s20 =	sor.u32 $0x2800, s20;
	[sflag:s17] =	ssyncadd.s32 $0xFFFFC000  }
0x28: {  	[spmem:s1] =	stream.indirect.scatter.add.f32 [tilespmem:s20], [sflag:$0x2], $0x80, s19, s16, $0x2000b8;
	[tilespmem:$0x1E800] =	vst v63  }
0x29: {  	s22 =	simm.s32 $0xC000;
	s23 =	sand.u32 $0x4000, s21;
	_ =	swait.ge [sflag:s14], $0x4000  }
0x2a: {  	s20 =	simm.s32 $0x100;
	s19 =	simm.s32 $0x1480;
	[sflag:s14] =	ssyncset.done $0x0  }
.LBB2_2:
0x2b: {  	s23 =	sor.u32 $0x2800, s23  }
0x2c: {  	[sflag:s14] =	ssyncadd.s32 $0xFFFFC000;
	s24 =	smov.u32 s22;
	s25 =	sadd.s32 $0x4000, s22  }
0x2d: {  	[tilespmem:s23], [sflag:$0x1] =	stream.indirect.gather [hbm4b:s4+s16], $0x80, s20, s16, $0x2000b8;
	[tilespmem:$0x1E800] =	vst v63  }
0x2e: {  	p0 =	sne.s32 s22, $0x9C000;
	s21 =	sadd.s32 $0xFFFFC000, s21;
	_ =	swait.ge [sflag:s17], $0x4000  }
.Ltmp0:
0x2f: {  	s21 =	sand.u32 $0x4000, s21;
	[sflag:s17] =	ssyncset.done $0x0;
	(pc) =	sbr.rel @p0 .LBB2_2-.Ltmp0, $4  }
0x30: {  	s22 =	sor.u32 $0x2800, s21;
	s21 =	smov.u32 s24;
	[sflag:s17] =	ssyncadd.s32 $0xFFFFC000  }
0x31: {  	[spmem:s1] =	stream.indirect.scatter.add.f32 [tilespmem:s22], [sflag:$0x2], $0x80, s19, s16, $0x2000b8;
	[tilespmem:$0x1E800] =	vst v63  }
0x32: {  	s20 =	sadd.s32 $0x80, s20;
	s23 =	sand.u32 $0x4000, s21;
	_ =	swait.ge [sflag:s14], $0x4000  }
0x33: {  	s19 =	sadd.s32 $0x80, s19;
	s22 =	smov.u32 s25;
	[sflag:s14] =	ssyncset.done $0x0  }
0x34: {  	s22 =	sor.u32 $0x2800, s23;
	[sflag:s14] =	ssyncadd.s32 $0xFFFFC000  }
0x35: {  	[tilespmem:s22], [sflag:$0x1] =	stream.indirect.gather [hbm4b:s4+s16], $0x80, s20, s16, $0x2000b8;
	[tilespmem:$0x1E800] =	vst v63  }
0x36: {  	s25 =	sadd.s32 $0xFFFFC000, s21;
	_ =	swait.ge [sflag:s17], $0x4000  }
0x37: {  	s20 =	sand.u32 $0x4000, s25;
	[sflag:s17] =	ssyncset.done $0x0  }
0x38: {  	s20 =	sor.u32 $0x2800, s20;
	[sflag:s17] =	ssyncadd.s32 $0xFFFFC000  }
0x39: {  	[spmem:s1] =	stream.indirect.scatter.add.f32 [tilespmem:s20], [sflag:$0x2], $0x80, s19, s16, $0x2000b8;
	[tilespmem:$0x1E800] =	vst v63  }
0x3a: {  	_ =	swait.ge [sflag:s14], $0x4000  }
0x3b: {  	[sflag:s14] =	ssyncset.done $0x0  }
0x3c: {  	[sflag:s14] =	ssyncadd.s32 $0xFFFFC000  }
0x3d: {  	_ =	swait.ge [sflag:s17], $0x4000  }
0x3e: {  	[sflag:s17] =	ssyncset.done $0x0  }
0x3f: {  	s26 =	sadd.s32 $0x80, s19;
	s28 =	simm.s32 $0x80;
	[sflag:s17] =	ssyncadd.s32 $0xFFFFC000  }
0x40: {  	[spmem:s1] =	stream.indirect.scatter.add.f32 [tilespmem:s22], [sflag:$0x2], $0x80, s26, s28, $0x2000b8;
	[tilespmem:$0x1E800] =	vst v63  }
0x41: {  	_ =	swait.ge [sflag:s14], $0x4000  }
0x42: {  	[sflag:s14] =	ssyncset.done $0x0  }
0x43: {  	[sflag:s14] =	ssyncadd.s32 $0xFFFFC000  }
0x44: {  	[tilespmem:s3], [sflag:$0x2] =	stream.linear.gather [hbm4b:s10+s3], $0x1400, $0x200038;
	[tilespmem:$0x1E800] =	vst v63  }
0x45: {  	_ =	swait.ge [sflag:s14], $0x1400  }
0x46: {  	[sflag:s14] =	ssyncset.done $0x0  }
0x47: {  	s29 =	simm.s32 $0x1400;
	[sflag:s14] =	ssyncadd.s32 $0xFFFFEC00  }
0x48: {  	[tilespmem:s29], [sflag:$0x2] =	stream.linear.gather [hbm4b:s11+s3], $0x1400, $0x200038;
	[tilespmem:$0x1E800] =	vst v63  }
0x49: {  	_ =	swait.ge [sflag:s14], $0x1400  }
0x4a: {  	s30 =	simm.s32 $0x4000;
	[sflag:s14] =	ssyncset.done $0x0  }
0x4b: {  	s21 =	sand.u32 $0x4000, s30;
	[sflag:s14] =	ssyncadd.s32 $0xFFFFEC00  }
0x4c: {  	[tilespmem:s15], [sflag:$0x1] =	stream.indirect.gather [hbm4b:s4+s28], $0x80, s3, s28, $0x2000b8;
	[tilespmem:$0x1E800] =	vst v63  }
0x4d: {  	s21 =	sor.u32 $0x2800, s21  }
0x4e: {  	[tilespmem:s21], [sflag:$0x1] =	stream.indirect.gather [hbm4b:s4+s16], $0x80, s28, s16, $0x2000b8;
	[tilespmem:$0x1E800] =	vst v63  }
0x4f: {  	s31 =	simm.s32 $0x0;
	_ =	swait.ge [sflag:s17], $0x4000  }
0x50: {  	s20 =	sand.u32 $0x4000, s31;
	[sflag:s17] =	ssyncset.done $0x0  }
0x51: {  	s19 =	simm.s32 $0x1480;
	s20 =	sor.u32 $0x2800, s20;
	[sflag:s17] =	ssyncadd.s32 $0xFFFFC000  }
0x52: {  	[spmem:s1] =	stream.indirect.scatter.add.f32 [tilespmem:s20], [sflag:$0x2], $0x80, s29, s16, $0x2000b8;
	[tilespmem:$0x1E800] =	vst v63  }
0x53: {  	s22 =	simm.s32 $0xC000;
	s21 =	simm.s32 $0x8000;
	_ =	swait.ge [sflag:s14], $0x4000  }
0x54: {  	s23 =	sand.u32 $0x4000, s21;
	s20 =	simm.s32 $0x100;
	[sflag:s14] =	ssyncset.done $0x0  }
.LBB2_4:
0x55: {  	s23 =	sor.u32 $0x2800, s23  }
0x56: {  	[sflag:s14] =	ssyncadd.s32 $0xFFFFC000;
	s24 =	smov.u32 s22;
	s25 =	sadd.s32 $0x4000, s22  }
0x57: {  	[tilespmem:s23], [sflag:$0x1] =	stream.indirect.gather [hbm4b:s4+s16], $0x80, s20, s16, $0x2000b8;
	[tilespmem:$0x1E800] =	vst v63  }
0x58: {  	p0 =	sne.s32 s22, $0x9C000;
	s21 =	sadd.s32 $0xFFFFC000, s21;
	_ =	swait.ge [sflag:s17], $0x4000  }
.Ltmp1:
0x59: {  	s21 =	sand.u32 $0x4000, s21;
	[sflag:s17] =	ssyncset.done $0x0;
	(pc) =	sbr.rel @p0 .LBB2_4-.Ltmp1, $4  }
0x5a: {  	s22 =	sor.u32 $0x2800, s21;
	s21 =	smov.u32 s24;
	[sflag:s17] =	ssyncadd.s32 $0xFFFFC000  }
0x5b: {  	[spmem:s1] =	stream.indirect.scatter.add.f32 [tilespmem:s22], [sflag:$0x2], $0x80, s19, s16, $0x2000b8;
	[tilespmem:$0x1E800] =	vst v63  }
0x5c: {  	s20 =	sadd.s32 $0x80, s20;
	s23 =	sand.u32 $0x4000, s21;
	_ =	swait.ge [sflag:s14], $0x4000  }
0x5d: {  	s19 =	sadd.s32 $0x80, s19;
	s22 =	smov.u32 s25;
	[sflag:s14] =	ssyncset.done $0x0  }
0x5e: {  	s22 =	sor.u32 $0x2800, s23;
	[sflag:s14] =	ssyncadd.s32 $0xFFFFC000  }
0x5f: {  	[tilespmem:s22], [sflag:$0x1] =	stream.indirect.gather [hbm4b:s4+s16], $0x80, s20, s16, $0x2000b8;
	[tilespmem:$0x1E800] =	vst v63  }
0x60: {  	s30 =	sadd.s32 $0xFFFFC000, s21;
	_ =	swait.ge [sflag:s17], $0x4000  }
0x61: {  	s20 =	sand.u32 $0x4000, s30;
	[sflag:s17] =	ssyncset.done $0x0  }
0x62: {  	s20 =	sor.u32 $0x2800, s20;
	[sflag:s17] =	ssyncadd.s32 $0xFFFFC000  }
0x63: {  	[spmem:s1] =	stream.indirect.scatter.add.f32 [tilespmem:s20], [sflag:$0x2], $0x80, s19, s16, $0x2000b8;
	[tilespmem:$0x1E800] =	vst v63  }
0x64: {  	_ =	swait.ge [sflag:s14], $0x4000  }
0x65: {  	[sflag:s14] =	ssyncset.done $0x0  }
0x66: {  	[sflag:s14] =	ssyncadd.s32 $0xFFFFC000  }
0x67: {  	_ =	swait.ge [sflag:s17], $0x4000  }
0x68: {  	[sflag:s17] =	ssyncset.done $0x0  }
0x69: {  	s31 =	sadd.s32 $0x80, s19;
	[sflag:s17] =	ssyncadd.s32 $0xFFFFC000  }
0x6a: {  	[spmem:s1] =	stream.indirect.scatter.add.f32 [tilespmem:s22], [sflag:$0x2], $0x80, s31, s16, $0x2000b8;
	[tilespmem:$0x1E800] =	vst v63  }
0x6b: {  	_ =	swait.ge [sflag:s14], $0x4000  }
0x6c: {  	[sflag:s14] =	ssyncset.done $0x0  }
0x6d: {  	[sflag:s14] =	ssyncadd.s32 $0xFFFFC000  }
0x6e: {  	[bflag:$0x0] =	sbarrier.arrive $0xFFFF  }
0x6f: {  	s18 =	sadd.s32 $0x1, s18;
	_ =	strace $0x9000004C  }
0x70: {  	p0 =	sne.s32 s18, s7;
	_ =	strace $0x8000004D  }
0x71: {  	[hbm:s6], [sflag:s12] =	dma.local [spmem:s13], $0x2800  }
.Ltmp2:
0x72: {  	_ = 	snop;
	(pc) =	sbr.rel @p0 .LBB2_1-.Ltmp2, $4  }
0x73: {  	_ =	swait.ge [sflag:s14], $0x2800  }
0x74: {  	[sflag:s14] =	ssyncset.done $0x0  }
0x75: {  	[sflag:s14] =	ssyncadd.s32 $0xFFFFD800  }
0x76: {  	_ =	strace $0x9000004D  }
0x77: {  	_ =	sfence.sel $0x180000  }
0x78: {  	[bflag:$0x0] =	sbarrier.arrive $0xFFFF  }
0x79: {  	p0 =	sne.s32 s2, $0x0;
	_ =	strace $0x9000004A  }
0x7a: {  	s0 =	sadd.s32 @!p0 $0x100000, s0;
	[bflag:$0x2] =	sbarrier.arrive $0xFFFF  }
0x7b: {  	[sflag:s0] =	ssyncadd.tile.s32 @!p0 $0x1;
	_ =	shalt  }
.Lfunc_end2:
_tile_overlayer_lowered:
.L_overlay_start_2:
0x7c: {  	(tag) =	ssettag $0x2  }
0x7d: {  	s0 =	rddreg [dreg:$0x0];
	s2 =	stileid.u32  }
0x7e: {  	s1 =	rddreg [dreg:$0x1];
	p0 =	sne.s32 s2, $0x0  }
0x7f: {  	s3 =	rddreg [dreg:$0x2];
	[bflag:$0x3] =	sbarrier.arrive $0xFFFF;
	s2 =	simm.s32 @!p0 $0x1C02  }
0x80: {  	[timem:s3], [sflag:s2] =	dma.local @!p0 [hbm:s0], s1  }
0x81: {  	s0 =	simm.s32 @!p0 $0x2  }
0x82: {  	_ =	swait.ge @!p0 [sflag:s0], s1  }
0x83: {  	s1 =	ssub.s32 @!p0 $0x0, s1;
	[sflag:s0] =	ssyncset.done @!p0 $0x0  }
0x84: {  	[sflag:s0] =	ssyncadd.s32 @!p0 s1  }
0x85: {  	[bflag:$0x3] =	sbarrier.arrive $0xFFFF  }
0x86: {  	_ =	shalt  }

// kernel: kernel.14.cloned.1.call-start
scs
__scs_entry_jumppad:
0x0: {  	(pc) =	sbr.rel $0x88, $3  }
0x1: {  	(tag) =	ssettag $0x0;
	lr =	simm.s32 $0x1  }
0x2: {  	[smem:$0x3F9B] =	sst lr;
	_ =	strace $0xD0000000  }
0x3: {  	_ = 	snop  }
0x4: {  	_ = 	snop  }
0x5: {  	_ = 	snop  }
0x6: {  	_ = 	snop  }
0x7: {  	_ = 	snop  }
__scs_overlays_trampoline_lowered:
0x8: {  	[smem:$0x3FAA] =	sst s0  }
0x9: {  	[smem:$0x3FAB] =	sst s1  }
0xa: {  	[smem:$0x3FAC] =	sst s2  }
0xb: {  	[smem:$0x3FAD] =	sst s3  }
0xc: {  	[smem:$0x3FAE] =	sst s4  }
0xd: {  	[smem:$0x3FAF] =	sst s5  }
0xe: {  	[smem:$0x3FB0] =	sst s6  }
0xf: {  	[smem:$0x3FB1] =	sst s7  }
0x10: {  	[smem:$0x3FB2] =	sst s8  }
0x11: {  	[smem:$0x3FB3] =	sst s9;
	s0 =	simm.s32 @!p0 $0x0  }
0x12: {  	s1 =	sld [smem:$0x3F99];
	s0 =	simm.s32 @p0 $0x1  }
0x13: {  	[smem:$0x3FB4] =	sst s0;
	s0 =	simm.s32 @!p1 $0x0  }
0x14: {  	s2 =	sld [smem:$0x3F98];
	s0 =	simm.s32 @p1 $0x1  }
0x15: {  	[smem:$0x3FB5] =	sst s0;
	s0 =	simm.s32 @!p2 $0x0  }
0x16: {  	s3 =	sld [smem:$0x3FDB];
	s0 =	simm.s32 @p2 $0x1  }
0x17: {  	s4 =	simm.s32 $0x1BF5;
	[smem:$0x3FB7] =	sst s0  }
0x18: {  	s0 =	sld [smem:$0x3F9A];
	_ =	swait.ge [sflag:s4], $0x0  }
0x19: {  	s7 =	sld [smem:$0x3F9B]  }
0x1a: {  	s8 =	sadd.s32 $0xFFFFE003, lr  }
0x1b: {  	s9 =	sadd.s32 $0xFFFFFEF7, lr;
	s5 =	simm.s32 $0xFFFFFFFF;
	p2 =	slt.u32 s8, $0xFFFFF086  }
0x1c: {  	p1 =	slt.u32 s9, $0xF7A;
	s5 =	simm.s32 @!p2 $0x0  }
0x1d: {  	s5 =	simm.s32 @p1 $0x1;
	p0 =	seq.s32 s7, s2  }
0x1e: {  	s7 =	smul.u32 @!p0 $0xF7A, s2;
	p2 =	seq.s32 @!p0 s5, $0x0  }
0x1f: {  	s9 =	smul.u32 $0xF7A, s1;
	s8 =	simm.s32 @!p0 $0x1BF5;
	p2 =	por !p2, p0  }
0x20: {  	[sflag:s8] =	ssyncset.s32 @!p0 $0xFFFFF086;
	s6 =	sadd.s32 @!p0 s3, s7;
	s7 =	simm.s32 @!p0 $0x108  }
0x21: {  	s3 =	sadd.s32 s3, s9;
	s6 =	sadd.s32 @!p0 $0x88, s6;
	s7 =	simm.s32 @p2 $0x1082  }
0x22: {  	[simem:s7], [sflag:s8] =	dma.local @!p0 [hbm:s6], $0xF7A  }
0x23: {  	s9 =	sor.u32 $0xD0000000, s2;
	s6 =	simm.s32 $0x108;
	_ =	swait.ge @!p0 [sflag:s8], $0x0  }
0x24: {  	s3 =	sadd.s32 $0x88, s3;
	s6 =	simm.s32 @!p1 $0x1082;
	[sflag:s4] =	ssyncset.s32 $0xFFFFF086  }
0x25: {  	[simem:s6], [sflag:s4] =	dma.local [hbm:s3], $0xF7A  }
0x26: {  	[smem:$0x3F9B] =	sst s1;
	(tag) =	ssettag s2;
	_ =	strace s9  }
0x27: {  	s1 =	sld [smem:$0x3FAB]  }
0x28: {  	s2 =	sld [smem:$0x3FAC]  }
0x29: {  	s4 =	sld [smem:$0x3FAE]  }
0x2a: {  	p0 =	seq.s32 s5, $0x0;
	s5 =	sld [smem:$0x3FAF]  }
0x2b: {  	s6 =	sld [smem:$0x3FB0]  }
0x2c: {  	s7 =	sld [smem:$0x3FB1]  }
0x2d: {  	s3 =	simm.s32 $0x108;
	s8 =	sld [smem:$0x3FB2]  }
0x2e: {  	s3 =	simm.s32 @!p0 $0x1082;
	s9 =	sld [smem:$0x3FB3]  }
0x2f: {  	lr =	sadd.s32 s0, s3;
	s0 =	sld [smem:$0x3FAA]  }
0x30: {  	s3 =	sld [smem:$0x3FAD]  }
0x31: {  	[smem:$0x3FB6] =	sst s10  }
0x32: {  	s10 =	sld [smem:$0x3FB4];
	_ =	sdelay $0x3  }
0x33: {  	p0 =	seq.s32 s10, $0x1;
	s10 =	sld [smem:$0x3FB6];
	_ =	sdelay $0x3  }
0x34: {  	[smem:$0x3FB6] =	sst s10  }
0x35: {  	s10 =	sld [smem:$0x3FB5];
	_ =	sdelay $0x3  }
0x36: {  	p1 =	seq.s32 s10, $0x1;
	s10 =	sld [smem:$0x3FB6];
	_ =	sdelay $0x3  }
0x37: {  	[smem:$0x3FB6] =	sst s10  }
0x38: {  	s10 =	sld [smem:$0x3FB7]  }
0x39: {  	_ = 	snop;
	(pc) =	sbr.ind lr, $3  }
0x3a: {  	_ = 	snop  }
0x3b: {  	_ = 	snop  }
0x3c: {  	p2 =	seq.s32 s10, $0x1;
	s10 =	sld [smem:$0x3FB6]  }
0x3d: {  	_ =	shalt  }
0x3e: {  	_ =	shalt  }
0x3f: {  	_ =	shalt  }
0x40: {  	_ =	shalt  }
0x41: {  	_ =	shalt  }
0x42: {  	_ =	shalt  }
0x43: {  	_ =	shalt  }
0x44: {  	_ =	shalt  }
0x45: {  	_ =	shalt  }
0x46: {  	_ =	shalt  }
0x47: {  	_ =	shalt  }
0x48: {  	_ =	shalt  }
0x49: {  	_ =	shalt  }
0x4a: {  	_ =	shalt  }
0x4b: {  	_ =	shalt  }
0x4c: {  	_ =	shalt  }
0x4d: {  	_ =	shalt  }
0x4e: {  	_ =	shalt  }
0x4f: {  	_ =	shalt  }
0x50: {  	_ =	shalt  }
0x51: {  	_ =	shalt  }
0x52: {  	_ =	shalt  }
0x53: {  	_ =	shalt  }
0x54: {  	_ =	shalt  }
0x55: {  	_ =	shalt  }
0x56: {  	_ =	shalt  }
0x57: {  	_ =	shalt  }
0x58: {  	_ =	shalt  }
0x59: {  	_ =	shalt  }
0x5a: {  	_ =	shalt  }
0x5b: {  	_ =	shalt  }
0x5c: {  	_ =	shalt  }
0x5d: {  	_ =	shalt  }
0x5e: {  	_ =	shalt  }
0x5f: {  	_ =	shalt  }
0x60: {  	_ =	shalt  }
0x61: {  	_ =	shalt  }
0x62: {  	_ =	shalt  }
0x63: {  	_ =	shalt  }
0x64: {  	_ =	shalt  }
0x65: {  	_ =	shalt  }
0x66: {  	_ =	shalt  }
0x67: {  	_ =	shalt  }
0x68: {  	_ =	shalt  }
0x69: {  	_ =	shalt  }
0x6a: {  	_ =	shalt  }
0x6b: {  	_ =	shalt  }
0x6c: {  	_ =	shalt  }
0x6d: {  	_ =	shalt  }
0x6e: {  	_ =	shalt  }
0x6f: {  	_ =	shalt  }
0x70: {  	_ =	shalt  }
0x71: {  	_ =	shalt  }
0x72: {  	_ =	shalt  }
0x73: {  	_ =	shalt  }
0x74: {  	_ =	shalt  }
0x75: {  	_ =	shalt  }
0x76: {  	_ =	shalt  }
0x77: {  	_ =	shalt  }
0x78: {  	_ =	shalt  }
0x79: {  	_ =	shalt  }
0x7a: {  	_ =	shalt  }
0x7b: {  	_ =	shalt  }
0x7c: {  	_ =	shalt  }
0x7d: {  	_ =	shalt  }
0x7e: {  	_ =	shalt  }
0x7f: {  	_ =	shalt  }
0x80: {  	_ =	shalt  }
0x81: {  	_ =	shalt  }
0x82: {  	_ =	shalt  }
0x83: {  	_ =	shalt  }
0x84: {  	_ =	shalt  }
0x85: {  	_ =	shalt  }
0x86: {  	_ =	shalt  }
0x87: {  	_ =	shalt  }
.Lfunc_end0:
.L_simem_size_0:
called_computation.2_lowered:
.L_overlay_start_0:
0x88: {  	s2 =	sld [smem:$0x3FD9]  }
0x89: {  	s3 =	sld [smem:$0x3FFE];
	_ =	sdelay $0x1  }
0x8a: {  	s1 =	srdreg.scid  }
0x8b: {  	s0 =	sand.u32 $0x1, s1  }
0x8c: {  	s17 =	sshll.u32 s0, $0xA;
	s2 =	sadd.s32 s3, s2  }
0x8d: {  	s2 =	sadd.s32 s2, s17  }
0x8e: {  	[smem:$0x3FC2] =	sst s2  }
0x8f: {  	_ = 	snop  }
0x90: {  	s2 =	sld [smem:$0x3FD0];
	(tm) =	ssettm $0x1  }
0x91: {  	s18 =	sld [smem:$0x3FFB];
	_ =	sdelay $0x3  }
0x92: {  	_ =	strace s18  }
0x93: {  	s3 =	sld [smem:$0x3FFC];
	_ =	sdelay $0x3  }
0x94: {  	_ =	strace s3  }
0x95: {  	s3 =	sld [smem:$0x3FFD];
	_ =	sdelay $0x3  }
0x96: {  	_ =	strace s3  }
0x97: {  	_ =	strace $0x8FFFFFFF  }
0x98: {  	s19 =	sld [smem:$0x3FDB];
	_ =	sdelay $0x1  }
0x99: {  	s4 =	simm.s32 $_scs_section_size  }
0x9a: {  	s5 =	simm.s32 $_size__tile_overlayer_lowered;
	s6 =	simm.s32 $_tile_overlayer_lowered  }
0x9b: {  	s22 =	simm.s32 $0x1BFF;
	s21 =	sshll.u32 s6, $0x1;
	s3 =	sadd.s32 s4, s19  }
0x9c: {  	s7 =	simm.s32 $0x0;
	s20 =	sshll.u32 s5, $0x1;
	s5 =	sadd.s32 s21, s3  }
0x9d: {  	[timem:s7], [sflag:s22] =	dma.local [hbm:s5], s20  }
0x9e: {  	_ =	swait.ge [sflag:s22], s20  }
0x9f: {  	s4 =	ssub.s32 $0x0, s20;
	[sflag:s22] =	ssyncset.done $0x0  }
0xa0: {  	[sflag:s22] =	ssyncadd.s32 s4;
	_ =	sdelay $0x1  }
0xa1: {  	s23 =	simm.s32 $0x1B8B  }
0xa2: {  	_ =	swait.ge [sflag:s23], $0x1  }
0xa3: {  	[sflag:s23] =	ssyncset.done $0x0  }
0xa4: {  	s25 =	simm.s32 $0x1B8E;
	s24 =	sld [smem:$0x3FFE];
	[sflag:s23] =	ssyncadd.s32 $0xFFFFFFFF  }
0xa5: {  	s26 =	simm.s32 $execute0_lowered;
	[smem:$0x3FD2] =	sst s25  }
0xa6: {  	s5 =	sshll.u32 s26, $0x1;
	_ =	strace $0x8000004F;
	[dreg:$0x1] =	wrdreg $0xFFFFFFFF  }
0xa7: {  	s28 =	simm.s32 $_size_execute0_lowered;
	s3 =	sadd.s32 s3, s5;
	[dreg:$0x0] =	wrdreg $0x0  }
0xa8: {  	s5 =	sshll.u32 s28, $0x1;
	[dreg:$0x2] =	wrdreg s3  }
0xa9: {  	[dreg:$0x3] =	wrdreg s5  }
0xaa: {  	[dreg:$0x4] =	wrdreg $0xC0  }
0xab: {  	_ =	task [dreg:s7], $0x5FFFF  }
0xac: {  	[dreg:$0x1] =	wrdreg $0xFFFFFFFF  }
0xad: {  	[dreg:$0x0] =	wrdreg $0x60  }
0xae: {  	[dreg:$0x2] =	wrdreg s24  }
0xaf: {  	[dreg:$0x3] =	wrdreg s2  }
0xb0: {  	[dreg:$0x4] =	wrdreg $0xA8000  }
0xb1: {  	[dreg:$0x5] =	wrdreg $0x9  }
0xb2: {  	_ =	task.clear_ibuf [dreg:s7], $0x6FFFF;
	_ =	strace $0x9000004F  }
0xb3: {  	s29 =	simm.s32 $0x9;
	_ =	strace $0x80000054  }
0xb4: {  	_ =	swait.ge [sflag:s29], $0x1  }
0xb5: {  	[sflag:s29] =	ssyncadd.s32 $0xFFFFFFFF  }
0xb6: {  	_ =	strace $0x90000054  }
0xb7: {  	_ =	sfence  }
0xb8: {  	s30 =	sld [smem:$0x0];
	_ =	sdelay $0x2  }
0xb9: {  	s31 =	sshll.u32 s1, $0xD;
	s1 =	sshrl.u32 s1, $0x2  }
0xba: {  	s3 =	sand.u32 $0x4000, s31;
	s1 =	sadd.s32 s1, s30  }
0xbb: {  	s0 =	sor.u32 s3, s0;
	s1 =	sshll.u32 s1, $0x11  }
0xbc: {  	s0 =	sor.u32 s1, s0  }
0xbd: {  	s0 =	sadd.s32 $0x8F2B, s0  }
0xbe: {  	[sflag:s0] =	ssyncadd.remote.s32 $0x1  }
0xbf: {  	_ =	sfence.sel $0xFFFF  }
0xc0: {  	[dreg:$0x0] =	wrdreg $0xFFFFFFFF;
	(pc) =	sbr.abs _section_cstart, $3  }
0xc1: {  	[dreg:$0x1] =	wrdreg $0xFFFFFFFF  }
0xc2: {  	_ =	task.clear_ibuf [dreg:s7], $0x2FFFF;
	_ =	strace $0x9FFFFFFF  }
0xc3: {  	(tm) =	ssettm $0x7FFFFFFF  }
tec
execute0_lowered:
.L_overlay_start_1:
0x0: {  	(tag) =	ssettag $0x1  }
0x1: {  	s6 =	rddreg [dreg:$0x0]  }
0x2: {  	s11 =	rddreg [dreg:$0x1]  }
0x3: {  	s1 =	rddreg [dreg:$0x2]  }
0x4: {  	s0 =	rddreg [dreg:$0x3]  }
0x5: {  	s3 =	simm.s32 $0x0;
	s2 =	srdreg.scid;
	s15 =	simm.s32 $0x2800  }
0x6: {  	s16 =	simm.s32 $0x80;
	s17 =	simm.s32 $0x1;
	s18 =	simm.s32 $0x0  }
0x7: {  	[smem:$0x7FF] =	sst s3;
	s7 =	sand.u32 $0x1, s2;
	s2 =	stileid.u32  }
0x8: {  	s4 =	sadd.s32 $0xE000, s6;
	s10 =	sadd.s32 $0x4000, s6;
	s8 =	smul.u32 $0x140000, s7  }
0x9: {  	s5 =	sadd.s32 $0x36000, s6;
	_ =	strace $0x80000050;
	s9 =	smul.u32 $0x14000, s2  }
0xa: {  	s12 =	sshll.u32 s7, $0x4;
	s29 =	smul.u32 $0x50000, s2;
	s7 =	ssub.s32 $0x2, s7  }
0xb: {  	s14 =	sshll.u32 s2, $0x6;
	s28 =	sor.u32 s2, s12;
	s30 =	sshrl.u32 s7, $0x1  }
0xc: {  	s8 =	sadd.s32 s9, s8;
	s9 =	smul.u32 $0x2800, s28;
	s12 =	sshrl.u32 s29, $0x2  }
0xd: {  	s7 =	ssub.s32 s7, s30;
	s8 =	sshrl.u32 s8, $0x3;
	s13 =	sadd.s32 s12, s1  }
0xe: {  	s7 =	smax.u32 s7, $0x1;
	s6 =	sadd.s32 s8, s6;
	s31 =	sshrl.u32 s9, $0x3  }
0xf: {  	s13 =	sshrl.u32 s13, $0x3;
	s6 =	sadd.s32 $0x38800, s6;
	s12 =	sadd.s32 $0x280, s31  }
0x10: {  	s8 =	sadd.s32 s10, s31;
	s9 =	sadd.s32 s11, s31;
	s10 =	sadd.s32 s10, s12  }
0x11: {  	s11 =	sadd.s32 s11, s12;
	s12 =	sor.u32 $0x1C02, s14;
	s14 =	simm.s32 $0x2  }
.LBB2_1:
0x12: {  	_ =	strace $0x80000051  }
0x13: {  	[spmem:s13], [sflag:s12] =	dma.local [hbm:s5], $0x2800  }
0x14: {  	_ =	swait.ge [sflag:s14], $0x2800  }
0x15: {  	[sflag:s14] =	ssyncset.done $0x0  }
0x16: {  	[sflag:s14] =	ssyncadd.s32 $0xFFFFD800  }
0x17: {  	[bflag:$0x0] =	sbarrier.arrive $0xFFFF  }
0x18: {  	_ =	strace $0x90000051  }
0x19: {  	_ =	strace $0x80000052  }
0x1a: {  	[tilespmem:s3], [sflag:$0x2] =	stream.linear.gather [hbm4b:s8+s3], $0x1400, $0x200038;
	[tilespmem:$0x1E800] =	vst v63  }
0x1b: {  	_ =	swait.ge [sflag:s14], $0x1400  }
0x1c: {  	[sflag:s14] =	ssyncset.done $0x0  }
0x1d: {  	s19 =	simm.s32 $0x1400;
	[sflag:s14] =	ssyncadd.s32 $0xFFFFEC00  }
0x1e: {  	[tilespmem:s19], [sflag:$0x2] =	stream.linear.gather [hbm4b:s9+s3], $0x1400, $0x200038;
	[tilespmem:$0x1E800] =	vst v63  }
0x1f: {  	_ =	swait.ge [sflag:s14], $0x1400  }
0x20: {  	s20 =	simm.s32 $0x4000;
	[sflag:s14] =	ssyncset.done $0x0  }
0x21: {  	s20 =	sand.u32 $0x4000, s20;
	[sflag:s14] =	ssyncadd.s32 $0xFFFFEC00  }
0x22: {  	[tilespmem:s15], [sflag:$0x1] =	stream.indirect.gather [hbm4b:s4+s16], $0x80, s3, s16, $0x2000b8;
	[tilespmem:$0x1E800] =	vst v63  }
0x23: {  	s20 =	sor.u32 $0x2800, s20  }
0x24: {  	[tilespmem:s20], [sflag:$0x1] =	stream.indirect.gather [hbm4b:s4+s16], $0x80, s16, s16, $0x2000b8;
	[tilespmem:$0x1E800] =	vst v63  }
0x25: {  	s31 =	simm.s32 $0x0;
	_ =	swait.ge [sflag:s17], $0x4000  }
0x26: {  	s20 =	sand.u32 $0x4000, s31;
	[sflag:s17] =	ssyncset.done $0x0  }
0x27: {  	s21 =	simm.s32 $0x8000;
	s20 =	sor.u32 $0x2800, s20;
	[sflag:s17] =	ssyncadd.s32 $0xFFFFC000  }
0x28: {  	[spmem:s1] =	stream.indirect.scatter.add.f32 [tilespmem:s20], [sflag:$0x2], $0x80, s19, s16, $0x2000b8;
	[tilespmem:$0x1E800] =	vst v63  }
0x29: {  	s22 =	simm.s32 $0xC000;
	s23 =	sand.u32 $0x4000, s21;
	_ =	swait.ge [sflag:s14], $0x4000  }
0x2a: {  	s20 =	simm.s32 $0x100;
	s19 =	simm.s32 $0x1480;
	[sflag:s14] =	ssyncset.done $0x0  }
.LBB2_2:
0x2b: {  	s23 =	sor.u32 $0x2800, s23  }
0x2c: {  	[sflag:s14] =	ssyncadd.s32 $0xFFFFC000;
	s24 =	smov.u32 s22;
	s25 =	sadd.s32 $0x4000, s22  }
0x2d: {  	[tilespmem:s23], [sflag:$0x1] =	stream.indirect.gather [hbm4b:s4+s16], $0x80, s20, s16, $0x2000b8;
	[tilespmem:$0x1E800] =	vst v63  }
0x2e: {  	p0 =	sne.s32 s22, $0x9C000;
	s21 =	sadd.s32 $0xFFFFC000, s21;
	_ =	swait.ge [sflag:s17], $0x4000  }
.Ltmp0:
0x2f: {  	s21 =	sand.u32 $0x4000, s21;
	[sflag:s17] =	ssyncset.done $0x0;
	(pc) =	sbr.rel @p0 .LBB2_2-.Ltmp0, $4  }
0x30: {  	s22 =	sor.u32 $0x2800, s21;
	s21 =	smov.u32 s24;
	[sflag:s17] =	ssyncadd.s32 $0xFFFFC000  }
0x31: {  	[spmem:s1] =	stream.indirect.scatter.add.f32 [tilespmem:s22], [sflag:$0x2], $0x80, s19, s16, $0x2000b8;
	[tilespmem:$0x1E800] =	vst v63  }
0x32: {  	s20 =	sadd.s32 $0x80, s20;
	s23 =	sand.u32 $0x4000, s21;
	_ =	swait.ge [sflag:s14], $0x4000  }
0x33: {  	s19 =	sadd.s32 $0x80, s19;
	s22 =	smov.u32 s25;
	[sflag:s14] =	ssyncset.done $0x0  }
0x34: {  	s22 =	sor.u32 $0x2800, s23;
	[sflag:s14] =	ssyncadd.s32 $0xFFFFC000  }
0x35: {  	[tilespmem:s22], [sflag:$0x1] =	stream.indirect.gather [hbm4b:s4+s16], $0x80, s20, s16, $0x2000b8;
	[tilespmem:$0x1E800] =	vst v63  }
0x36: {  	s25 =	sadd.s32 $0xFFFFC000, s21;
	_ =	swait.ge [sflag:s17], $0x4000  }
0x37: {  	s20 =	sand.u32 $0x4000, s25;
	[sflag:s17] =	ssyncset.done $0x0  }
0x38: {  	s20 =	sor.u32 $0x2800, s20;
	[sflag:s17] =	ssyncadd.s32 $0xFFFFC000  }
0x39: {  	[spmem:s1] =	stream.indirect.scatter.add.f32 [tilespmem:s20], [sflag:$0x2], $0x80, s19, s16, $0x2000b8;
	[tilespmem:$0x1E800] =	vst v63  }
0x3a: {  	_ =	swait.ge [sflag:s14], $0x4000  }
0x3b: {  	[sflag:s14] =	ssyncset.done $0x0  }
0x3c: {  	[sflag:s14] =	ssyncadd.s32 $0xFFFFC000  }
0x3d: {  	_ =	swait.ge [sflag:s17], $0x4000  }
0x3e: {  	[sflag:s17] =	ssyncset.done $0x0  }
0x3f: {  	s26 =	sadd.s32 $0x80, s19;
	s28 =	simm.s32 $0x80;
	[sflag:s17] =	ssyncadd.s32 $0xFFFFC000  }
0x40: {  	[spmem:s1] =	stream.indirect.scatter.add.f32 [tilespmem:s22], [sflag:$0x2], $0x80, s26, s28, $0x2000b8;
	[tilespmem:$0x1E800] =	vst v63  }
0x41: {  	_ =	swait.ge [sflag:s14], $0x4000  }
0x42: {  	[sflag:s14] =	ssyncset.done $0x0  }
0x43: {  	[sflag:s14] =	ssyncadd.s32 $0xFFFFC000  }
0x44: {  	[tilespmem:s3], [sflag:$0x2] =	stream.linear.gather [hbm4b:s10+s3], $0x1400, $0x200038;
	[tilespmem:$0x1E800] =	vst v63  }
0x45: {  	_ =	swait.ge [sflag:s14], $0x1400  }
0x46: {  	[sflag:s14] =	ssyncset.done $0x0  }
0x47: {  	s29 =	simm.s32 $0x1400;
	[sflag:s14] =	ssyncadd.s32 $0xFFFFEC00  }
0x48: {  	[tilespmem:s29], [sflag:$0x2] =	stream.linear.gather [hbm4b:s11+s3], $0x1400, $0x200038;
	[tilespmem:$0x1E800] =	vst v63  }
0x49: {  	_ =	swait.ge [sflag:s14], $0x1400  }
0x4a: {  	s30 =	simm.s32 $0x4000;
	[sflag:s14] =	ssyncset.done $0x0  }
0x4b: {  	s21 =	sand.u32 $0x4000, s30;
	[sflag:s14] =	ssyncadd.s32 $0xFFFFEC00  }
0x4c: {  	[tilespmem:s15], [sflag:$0x1] =	stream.indirect.gather [hbm4b:s4+s28], $0x80, s3, s28, $0x2000b8;
	[tilespmem:$0x1E800] =	vst v63  }
0x4d: {  	s21 =	sor.u32 $0x2800, s21  }
0x4e: {  	[tilespmem:s21], [sflag:$0x1] =	stream.indirect.gather [hbm4b:s4+s16], $0x80, s28, s16, $0x2000b8;
	[tilespmem:$0x1E800] =	vst v63  }
0x4f: {  	s31 =	simm.s32 $0x0;
	_ =	swait.ge [sflag:s17], $0x4000  }
0x50: {  	s20 =	sand.u32 $0x4000, s31;
	[sflag:s17] =	ssyncset.done $0x0  }
0x51: {  	s19 =	simm.s32 $0x1480;
	s20 =	sor.u32 $0x2800, s20;
	[sflag:s17] =	ssyncadd.s32 $0xFFFFC000  }
0x52: {  	[spmem:s1] =	stream.indirect.scatter.add.f32 [tilespmem:s20], [sflag:$0x2], $0x80, s29, s16, $0x2000b8;
	[tilespmem:$0x1E800] =	vst v63  }
0x53: {  	s22 =	simm.s32 $0xC000;
	s21 =	simm.s32 $0x8000;
	_ =	swait.ge [sflag:s14], $0x4000  }
0x54: {  	s23 =	sand.u32 $0x4000, s21;
	s20 =	simm.s32 $0x100;
	[sflag:s14] =	ssyncset.done $0x0  }
.LBB2_4:
0x55: {  	s23 =	sor.u32 $0x2800, s23  }
0x56: {  	[sflag:s14] =	ssyncadd.s32 $0xFFFFC000;
	s24 =	smov.u32 s22;
	s25 =	sadd.s32 $0x4000, s22  }
0x57: {  	[tilespmem:s23], [sflag:$0x1] =	stream.indirect.gather [hbm4b:s4+s16], $0x80, s20, s16, $0x2000b8;
	[tilespmem:$0x1E800] =	vst v63  }
0x58: {  	p0 =	sne.s32 s22, $0x9C000;
	s21 =	sadd.s32 $0xFFFFC000, s21;
	_ =	swait.ge [sflag:s17], $0x4000  }
.Ltmp1:
0x59: {  	s21 =	sand.u32 $0x4000, s21;
	[sflag:s17] =	ssyncset.done $0x0;
	(pc) =	sbr.rel @p0 .LBB2_4-.Ltmp1, $4  }
0x5a: {  	s22 =	sor.u32 $0x2800, s21;
	s21 =	smov.u32 s24;
	[sflag:s17] =	ssyncadd.s32 $0xFFFFC000  }
0x5b: {  	[spmem:s1] =	stream.indirect.scatter.add.f32 [tilespmem:s22], [sflag:$0x2], $0x80, s19, s16, $0x2000b8;
	[tilespmem:$0x1E800] =	vst v63  }
0x5c: {  	s20 =	sadd.s32 $0x80, s20;
	s23 =	sand.u32 $0x4000, s21;
	_ =	swait.ge [sflag:s14], $0x4000  }
0x5d: {  	s19 =	sadd.s32 $0x80, s19;
	s22 =	smov.u32 s25;
	[sflag:s14] =	ssyncset.done $0x0  }
0x5e: {  	s22 =	sor.u32 $0x2800, s23;
	[sflag:s14] =	ssyncadd.s32 $0xFFFFC000  }
0x5f: {  	[tilespmem:s22], [sflag:$0x1] =	stream.indirect.gather [hbm4b:s4+s16], $0x80, s20, s16, $0x2000b8;
	[tilespmem:$0x1E800] =	vst v63  }
0x60: {  	s30 =	sadd.s32 $0xFFFFC000, s21;
	_ =	swait.ge [sflag:s17], $0x4000  }
0x61: {  	s20 =	sand.u32 $0x4000, s30;
	[sflag:s17] =	ssyncset.done $0x0  }
0x62: {  	s20 =	sor.u32 $0x2800, s20;
	[sflag:s17] =	ssyncadd.s32 $0xFFFFC000  }
0x63: {  	[spmem:s1] =	stream.indirect.scatter.add.f32 [tilespmem:s20], [sflag:$0x2], $0x80, s19, s16, $0x2000b8;
	[tilespmem:$0x1E800] =	vst v63  }
0x64: {  	_ =	swait.ge [sflag:s14], $0x4000  }
0x65: {  	[sflag:s14] =	ssyncset.done $0x0  }
0x66: {  	[sflag:s14] =	ssyncadd.s32 $0xFFFFC000  }
0x67: {  	_ =	swait.ge [sflag:s17], $0x4000  }
0x68: {  	[sflag:s17] =	ssyncset.done $0x0  }
0x69: {  	s31 =	sadd.s32 $0x80, s19;
	[sflag:s17] =	ssyncadd.s32 $0xFFFFC000  }
0x6a: {  	[spmem:s1] =	stream.indirect.scatter.add.f32 [tilespmem:s22], [sflag:$0x2], $0x80, s31, s16, $0x2000b8;
	[tilespmem:$0x1E800] =	vst v63  }
0x6b: {  	_ =	swait.ge [sflag:s14], $0x4000  }
0x6c: {  	[sflag:s14] =	ssyncset.done $0x0  }
0x6d: {  	[sflag:s14] =	ssyncadd.s32 $0xFFFFC000  }
0x6e: {  	[bflag:$0x0] =	sbarrier.arrive $0xFFFF  }
0x6f: {  	s18 =	sadd.s32 $0x1, s18;
	_ =	strace $0x90000052  }
0x70: {  	p0 =	sne.s32 s18, s7;
	_ =	strace $0x80000053  }
0x71: {  	[hbm:s6], [sflag:s12] =	dma.local [spmem:s13], $0x2800  }
.Ltmp2:
0x72: {  	_ = 	snop;
	(pc) =	sbr.rel @p0 .LBB2_1-.Ltmp2, $4  }
0x73: {  	_ =	swait.ge [sflag:s14], $0x2800  }
0x74: {  	[sflag:s14] =	ssyncset.done $0x0  }
0x75: {  	[sflag:s14] =	ssyncadd.s32 $0xFFFFD800  }
0x76: {  	_ =	strace $0x90000053  }
0x77: {  	_ =	sfence.sel $0x180000  }
0x78: {  	[bflag:$0x0] =	sbarrier.arrive $0xFFFF  }
0x79: {  	p0 =	sne.s32 s2, $0x0;
	_ =	strace $0x90000050  }
0x7a: {  	s0 =	sadd.s32 @!p0 $0x100000, s0;
	[bflag:$0x2] =	sbarrier.arrive $0xFFFF  }
0x7b: {  	[sflag:s0] =	ssyncadd.tile.s32 @!p0 $0x1;
	_ =	shalt  }
.Lfunc_end2:
_tile_overlayer_lowered:
.L_overlay_start_2:
0x7c: {  	(tag) =	ssettag $0x2  }
0x7d: {  	s0 =	rddreg [dreg:$0x0];
	s2 =	stileid.u32  }
0x7e: {  	s1 =	rddreg [dreg:$0x1];
	p0 =	sne.s32 s2, $0x0  }
0x7f: {  	s3 =	rddreg [dreg:$0x2];
	[bflag:$0x3] =	sbarrier.arrive $0xFFFF;
	s2 =	simm.s32 @!p0 $0x1C02  }
0x80: {  	[timem:s3], [sflag:s2] =	dma.local @!p0 [hbm:s0], s1  }
0x81: {  	s0 =	simm.s32 @!p0 $0x2  }
0x82: {  	_ =	swait.ge @!p0 [sflag:s0], s1  }
0x83: {  	s1 =	ssub.s32 @!p0 $0x0, s1;
	[sflag:s0] =	ssyncset.done @!p0 $0x0  }
0x84: {  	[sflag:s0] =	ssyncadd.s32 @!p0 s1  }
0x85: {  	[bflag:$0x3] =	sbarrier.arrive $0xFFFF  }
0x86: {  	_ =	shalt  }

// kernel: kernel.8.cloned.1.call-start
scs
__scs_entry_jumppad:
0x0: {  	(pc) =	sbr.rel $0x88, $3  }
0x1: {  	(tag) =	ssettag $0x0;
	lr =	simm.s32 $0x1  }
0x2: {  	[smem:$0x3F9B] =	sst lr;
	_ =	strace $0xD0000000  }
0x3: {  	_ = 	snop  }
0x4: {  	_ = 	snop  }
0x5: {  	_ = 	snop  }
0x6: {  	_ = 	snop  }
0x7: {  	_ = 	snop  }
__scs_overlays_trampoline_lowered:
0x8: {  	[smem:$0x3FAA] =	sst s0  }
0x9: {  	[smem:$0x3FAB] =	sst s1  }
0xa: {  	[smem:$0x3FAC] =	sst s2  }
0xb: {  	[smem:$0x3FAD] =	sst s3  }
0xc: {  	[smem:$0x3FAE] =	sst s4  }
0xd: {  	[smem:$0x3FAF] =	sst s5  }
0xe: {  	[smem:$0x3FB0] =	sst s6  }
0xf: {  	[smem:$0x3FB1] =	sst s7  }
0x10: {  	[smem:$0x3FB2] =	sst s8  }
0x11: {  	[smem:$0x3FB3] =	sst s9;
	s0 =	simm.s32 @!p0 $0x0  }
0x12: {  	s1 =	sld [smem:$0x3F99];
	s0 =	simm.s32 @p0 $0x1  }
0x13: {  	[smem:$0x3FB4] =	sst s0;
	s0 =	simm.s32 @!p1 $0x0  }
0x14: {  	s2 =	sld [smem:$0x3F98];
	s0 =	simm.s32 @p1 $0x1  }
0x15: {  	[smem:$0x3FB5] =	sst s0;
	s0 =	simm.s32 @!p2 $0x0  }
0x16: {  	s3 =	sld [smem:$0x3FDB];
	s0 =	simm.s32 @p2 $0x1  }
0x17: {  	s4 =	simm.s32 $0x1BF5;
	[smem:$0x3FB7] =	sst s0  }
0x18: {  	s0 =	sld [smem:$0x3F9A];
	_ =	swait.ge [sflag:s4], $0x0  }
0x19: {  	s7 =	sld [smem:$0x3F9B]  }
0x1a: {  	s8 =	sadd.s32 $0xFFFFE003, lr  }
0x1b: {  	s9 =	sadd.s32 $0xFFFFFEF7, lr;
	s5 =	simm.s32 $0xFFFFFFFF;
	p2 =	slt.u32 s8, $0xFFFFF086  }
0x1c: {  	p1 =	slt.u32 s9, $0xF7A;
	s5 =	simm.s32 @!p2 $0x0  }
0x1d: {  	s5 =	simm.s32 @p1 $0x1;
	p0 =	seq.s32 s7, s2  }
0x1e: {  	s7 =	smul.u32 @!p0 $0xF7A, s2;
	p2 =	seq.s32 @!p0 s5, $0x0  }
0x1f: {  	s9 =	smul.u32 $0xF7A, s1;
	s8 =	simm.s32 @!p0 $0x1BF5;
	p2 =	por !p2, p0  }
0x20: {  	[sflag:s8] =	ssyncset.s32 @!p0 $0xFFFFF086;
	s6 =	sadd.s32 @!p0 s3, s7;
	s7 =	simm.s32 @!p0 $0x108  }
0x21: {  	s3 =	sadd.s32 s3, s9;
	s6 =	sadd.s32 @!p0 $0x88, s6;
	s7 =	simm.s32 @p2 $0x1082  }
0x22: {  	[simem:s7], [sflag:s8] =	dma.local @!p0 [hbm:s6], $0xF7A  }
0x23: {  	s9 =	sor.u32 $0xD0000000, s2;
	s6 =	simm.s32 $0x108;
	_ =	swait.ge @!p0 [sflag:s8], $0x0  }
0x24: {  	s3 =	sadd.s32 $0x88, s3;
	s6 =	simm.s32 @!p1 $0x1082;
	[sflag:s4] =	ssyncset.s32 $0xFFFFF086  }
0x25: {  	[simem:s6], [sflag:s4] =	dma.local [hbm:s3], $0xF7A  }
0x26: {  	[smem:$0x3F9B] =	sst s1;
	(tag) =	ssettag s2;
	_ =	strace s9  }
0x27: {  	s1 =	sld [smem:$0x3FAB]  }
0x28: {  	s2 =	sld [smem:$0x3FAC]  }
0x29: {  	s4 =	sld [smem:$0x3FAE]  }
0x2a: {  	p0 =	seq.s32 s5, $0x0;
	s5 =	sld [smem:$0x3FAF]  }
0x2b: {  	s6 =	sld [smem:$0x3FB0]  }
0x2c: {  	s7 =	sld [smem:$0x3FB1]  }
0x2d: {  	s3 =	simm.s32 $0x108;
	s8 =	sld [smem:$0x3FB2]  }
0x2e: {  	s3 =	simm.s32 @!p0 $0x1082;
	s9 =	sld [smem:$0x3FB3]  }
0x2f: {  	lr =	sadd.s32 s0, s3;
	s0 =	sld [smem:$0x3FAA]  }
0x30: {  	s3 =	sld [smem:$0x3FAD]  }
0x31: {  	[smem:$0x3FB6] =	sst s10  }
0x32: {  	s10 =	sld [smem:$0x3FB4];
	_ =	sdelay $0x3  }
0x33: {  	p0 =	seq.s32 s10, $0x1;
	s10 =	sld [smem:$0x3FB6];
	_ =	sdelay $0x3  }
0x34: {  	[smem:$0x3FB6] =	sst s10  }
0x35: {  	s10 =	sld [smem:$0x3FB5];
	_ =	sdelay $0x3  }
0x36: {  	p1 =	seq.s32 s10, $0x1;
	s10 =	sld [smem:$0x3FB6];
	_ =	sdelay $0x3  }
0x37: {  	[smem:$0x3FB6] =	sst s10  }
0x38: {  	s10 =	sld [smem:$0x3FB7]  }
0x39: {  	_ = 	snop;
	(pc) =	sbr.ind lr, $3  }
0x3a: {  	_ = 	snop  }
0x3b: {  	_ = 	snop  }
0x3c: {  	p2 =	seq.s32 s10, $0x1;
	s10 =	sld [smem:$0x3FB6]  }
0x3d: {  	_ =	shalt  }
0x3e: {  	_ =	shalt  }
0x3f: {  	_ =	shalt  }
0x40: {  	_ =	shalt  }
0x41: {  	_ =	shalt  }
0x42: {  	_ =	shalt  }
0x43: {  	_ =	shalt  }
0x44: {  	_ =	shalt  }
0x45: {  	_ =	shalt  }
0x46: {  	_ =	shalt  }
0x47: {  	_ =	shalt  }
0x48: {  	_ =	shalt  }
0x49: {  	_ =	shalt  }
0x4a: {  	_ =	shalt  }
0x4b: {  	_ =	shalt  }
0x4c: {  	_ =	shalt  }
0x4d: {  	_ =	shalt  }
0x4e: {  	_ =	shalt  }
0x4f: {  	_ =	shalt  }
0x50: {  	_ =	shalt  }
0x51: {  	_ =	shalt  }
0x52: {  	_ =	shalt  }
0x53: {  	_ =	shalt  }
0x54: {  	_ =	shalt  }
0x55: {  	_ =	shalt  }
0x56: {  	_ =	shalt  }
0x57: {  	_ =	shalt  }
0x58: {  	_ =	shalt  }
0x59: {  	_ =	shalt  }
0x5a: {  	_ =	shalt  }
0x5b: {  	_ =	shalt  }
0x5c: {  	_ =	shalt  }
0x5d: {  	_ =	shalt  }
0x5e: {  	_ =	shalt  }
0x5f: {  	_ =	shalt  }
0x60: {  	_ =	shalt  }
0x61: {  	_ =	shalt  }
0x62: {  	_ =	shalt  }
0x63: {  	_ =	shalt  }
0x64: {  	_ =	shalt  }
0x65: {  	_ =	shalt  }
0x66: {  	_ =	shalt  }
0x67: {  	_ =	shalt  }
0x68: {  	_ =	shalt  }
0x69: {  	_ =	shalt  }
0x6a: {  	_ =	shalt  }
0x6b: {  	_ =	shalt  }
0x6c: {  	_ =	shalt  }
0x6d: {  	_ =	shalt  }
0x6e: {  	_ =	shalt  }
0x6f: {  	_ =	shalt  }
0x70: {  	_ =	shalt  }
0x71: {  	_ =	shalt  }
0x72: {  	_ =	shalt  }
0x73: {  	_ =	shalt  }
0x74: {  	_ =	shalt  }
0x75: {  	_ =	shalt  }
0x76: {  	_ =	shalt  }
0x77: {  	_ =	shalt  }
0x78: {  	_ =	shalt  }
0x79: {  	_ =	shalt  }
0x7a: {  	_ =	shalt  }
0x7b: {  	_ =	shalt  }
0x7c: {  	_ =	shalt  }
0x7d: {  	_ =	shalt  }
0x7e: {  	_ =	shalt  }
0x7f: {  	_ =	shalt  }
0x80: {  	_ =	shalt  }
0x81: {  	_ =	shalt  }
0x82: {  	_ =	shalt  }
0x83: {  	_ =	shalt  }
0x84: {  	_ =	shalt  }
0x85: {  	_ =	shalt  }
0x86: {  	_ =	shalt  }
0x87: {  	_ =	shalt  }
.Lfunc_end0:
.L_simem_size_0:
called_computation_lowered:
.L_overlay_start_0:
0x88: {  	s2 =	sld [smem:$0x3FD9]  }
0x89: {  	s3 =	sld [smem:$0x3FFE];
	_ =	sdelay $0x1  }
0x8a: {  	s1 =	srdreg.scid  }
0x8b: {  	s0 =	sand.u32 $0x1, s1  }
0x8c: {  	s17 =	sshll.u32 s0, $0xA;
	s2 =	sadd.s32 s3, s2  }
0x8d: {  	s2 =	sadd.s32 s2, s17  }
0x8e: {  	[smem:$0x3FC2] =	sst s2  }
0x8f: {  	_ = 	snop  }
0x90: {  	s2 =	sld [smem:$0x3FD0];
	(tm) =	ssettm $0x1  }
0x91: {  	s18 =	sld [smem:$0x3FFB];
	_ =	sdelay $0x3  }
0x92: {  	_ =	strace s18  }
0x93: {  	s3 =	sld [smem:$0x3FFC];
	_ =	sdelay $0x3  }
0x94: {  	_ =	strace s3  }
0x95: {  	s3 =	sld [smem:$0x3FFD];
	_ =	sdelay $0x3  }
0x96: {  	_ =	strace s3  }
0x97: {  	_ =	strace $0x8FFFFFFF  }
0x98: {  	s19 =	sld [smem:$0x3FDB];
	_ =	sdelay $0x1  }
0x99: {  	s4 =	simm.s32 $_scs_section_size  }
0x9a: {  	s5 =	simm.s32 $_size__tile_overlayer_lowered;
	s6 =	simm.s32 $_tile_overlayer_lowered  }
0x9b: {  	s22 =	simm.s32 $0x1BFF;
	s21 =	sshll.u32 s6, $0x1;
	s3 =	sadd.s32 s4, s19  }
0x9c: {  	s7 =	simm.s32 $0x0;
	s20 =	sshll.u32 s5, $0x1;
	s5 =	sadd.s32 s21, s3  }
0x9d: {  	[timem:s7], [sflag:s22] =	dma.local [hbm:s5], s20  }
0x9e: {  	_ =	swait.ge [sflag:s22], s20  }
0x9f: {  	s4 =	ssub.s32 $0x0, s20;
	[sflag:s22] =	ssyncset.done $0x0  }
0xa0: {  	[sflag:s22] =	ssyncadd.s32 s4;
	_ =	sdelay $0x1  }
0xa1: {  	s23 =	simm.s32 $0x1B8B  }
0xa2: {  	_ =	swait.ge [sflag:s23], $0x1  }
0xa3: {  	[sflag:s23] =	ssyncset.done $0x0  }
0xa4: {  	s25 =	simm.s32 $0x1B8E;
	s24 =	sld [smem:$0x3FFE];
	[sflag:s23] =	ssyncadd.s32 $0xFFFFFFFF  }
0xa5: {  	s26 =	simm.s32 $execute0_lowered;
	[smem:$0x3FD2] =	sst s25  }
0xa6: {  	s5 =	sshll.u32 s26, $0x1;
	_ =	strace $0x80000046;
	[dreg:$0x1] =	wrdreg $0xFFFFFFFF  }
0xa7: {  	s28 =	simm.s32 $_size_execute0_lowered;
	s3 =	sadd.s32 s3, s5;
	[dreg:$0x0] =	wrdreg $0x0  }
0xa8: {  	s5 =	sshll.u32 s28, $0x1;
	[dreg:$0x2] =	wrdreg s3  }
0xa9: {  	[dreg:$0x3] =	wrdreg s5  }
0xaa: {  	[dreg:$0x4] =	wrdreg $0xC0  }
0xab: {  	_ =	task [dreg:s7], $0x5FFFF  }
0xac: {  	[dreg:$0x1] =	wrdreg $0xFFFFFFFF  }
0xad: {  	[dreg:$0x0] =	wrdreg $0x60  }
0xae: {  	[dreg:$0x2] =	wrdreg s2  }
0xaf: {  	[dreg:$0x3] =	wrdreg s24  }
0xb0: {  	[dreg:$0x4] =	wrdreg $0x2B000  }
0xb1: {  	[dreg:$0x5] =	wrdreg $0x9  }
0xb2: {  	_ =	task.clear_ibuf [dreg:s7], $0x6FFFF;
	_ =	strace $0x90000046  }
0xb3: {  	s29 =	simm.s32 $0x9;
	_ =	strace $0x80000048  }
0xb4: {  	_ =	swait.ge [sflag:s29], $0x1  }
0xb5: {  	[sflag:s29] =	ssyncadd.s32 $0xFFFFFFFF  }
0xb6: {  	_ =	strace $0x90000048  }
0xb7: {  	_ =	sfence  }
0xb8: {  	s30 =	sld [smem:$0x0];
	_ =	sdelay $0x2  }
0xb9: {  	s31 =	sshll.u32 s1, $0xD;
	s1 =	sshrl.u32 s1, $0x2  }
0xba: {  	s3 =	sand.u32 $0x4000, s31;
	s1 =	sadd.s32 s1, s30  }
0xbb: {  	s0 =	sor.u32 s3, s0;
	s1 =	sshll.u32 s1, $0x11  }
0xbc: {  	s0 =	sor.u32 s1, s0  }
0xbd: {  	s0 =	sadd.s32 $0x8F2B, s0  }
0xbe: {  	[sflag:s0] =	ssyncadd.remote.s32 $0x1  }
0xbf: {  	_ =	sfence.sel $0xFFFF  }
0xc0: {  	[dreg:$0x0] =	wrdreg $0xFFFFFFFF;
	(pc) =	sbr.abs _section_cstart, $3  }
0xc1: {  	[dreg:$0x1] =	wrdreg $0xFFFFFFFF  }
0xc2: {  	_ =	task.clear_ibuf [dreg:s7], $0x2FFFF;
	_ =	strace $0x9FFFFFFF  }
0xc3: {  	(tm) =	ssettm $0x7FFFFFFF  }
tec
execute0_lowered:
.L_overlay_start_1:
0x0: {  	(tag) =	ssettag $0x1  }
0x1: {  	s6 =	rddreg [dreg:$0x0]  }
0x2: {  	s7 =	rddreg [dreg:$0x1]  }
0x3: {  	s1 =	rddreg [dreg:$0x2]  }
0x4: {  	s0 =	rddreg [dreg:$0x3];
	s3 =	simm.s32 $0x0;
	s5 =	srdreg.scid  }
0x5: {  	s2 =	stileid.u32;
	s13 =	simm.s32 $0x80;
	s16 =	simm.s32 $0x20  }
0x6: {  	s17 =	simm.s32 $0x10;
	s18 =	simm.s32 $0x0;
	[smem:$0x7FF] =	sst s3  }
0x7: {  	s4 =	sadd.s32 $0x3200, s7;
	s8 =	sand.u32 $0x1, s5;
	s9 =	smul.u32 $0x500, s2  }
0x8: {  	s5 =	sadd.s32 $0x3400, s7;
	s30 =	smul.u32 $0xA00, s2;
	s14 =	sshll.u32 s2, $0x6  }
0x9: {  	_ =	strace $0x80000047;
	s10 =	sshll.u32 s8, $0x7;
	s11 =	sshll.u32 s8, $0x4  }
0xa: {  	s8 =	ssub.s32 $0x2, s8;
	s14 =	sor.u32 $0x1C01, s14;
	s9 =	sor.u32 s10, s9  }
0xb: {  	s29 =	sor.u32 s2, s11;
	s31 =	sshrl.u32 s8, $0x1;
	s11 =	sshrl.u32 s30, $0x2  }
0xc: {  	s9 =	sshrl.u32 s9, $0x3;
	s10 =	smul.u32 $0x500, s29;
	s12 =	ssub.s32 s8, s31  }
0xd: {  	s9 =	sadd.s32 s9, s7;
	s7 =	sadd.s32 s11, s1;
	s11 =	simm.s32 $0x2800  }
0xe: {  	s6 =	sadd.s32 s6, s10;
	s8 =	sadd.s32 $0x3600, s9;
	s9 =	smax.u32 s12, $0x1  }
0xf: {  	s10 =	simm.s32 $0x1;
	s12 =	simm.s32 $0x2880;
	s15 =	sshrl.u32 s7, $0x3  }
.LBB2_1:
0x10: {  	[tilespmem:s3], [sflag:$0x1] =	stream.linear.gather [hbm4b:s6+s3], $0x2800, $0x38;
	[tilespmem:$0x2D80] =	vst v63  }
0x11: {  	_ =	swait.ge [sflag:s10], $0x2800  }
0x12: {  	[sflag:s10] =	ssyncset.done $0x0  }
0x13: {  	[sflag:s10] =	ssyncadd.s32 $0xFFFFD800  }
0x14: {  	[tilespmem:s11], [sflag:$0x1] =	stream.linear.gather [hbm4b:s4+s3], $0x80, $0x38;
	[tilespmem:$0x2D80] =	vst v63  }
0x15: {  	_ =	swait.ge [sflag:s10], $0x80  }
0x16: {  	[sflag:s10] =	ssyncset.done $0x0  }
0x17: {  	[sflag:s10] =	ssyncadd.s32 $0xFFFFFF80  }
0x18: {  	[tilespmem:s12], [sflag:$0x1] =	stream.linear.gather [hbm4b:s5+s3], $0x280, $0x38;
	[tilespmem:$0x2D80] =	vst v63  }
0x19: {  	_ =	swait.ge [sflag:s10], $0x280  }
0x1a: {  	[sflag:s10] =	ssyncset.done $0x0  }
0x1b: {  	[sflag:s10] =	ssyncadd.s32 $0xFFFFFD80  }
0x1c: {  	[spmem:s7] =	stream.linear.scatter [tilespmem:s12], [sflag:$0x1], $0x280, $0x38;
	[tilespmem:$0x2D80] =	vst v63  }
0x1d: {  	_ =	swait.ge [sflag:s10], $0x280  }
0x1e: {  	[sflag:s10] =	ssyncset.done $0x0  }
0x1f: {  	[sflag:s10] =	ssyncadd.s32 $0xFFFFFD80  }
0x20: {  	s19 =	simm.s32 $0x0;
	[bflag:$0x0] =	sbarrier.arrive $0xFFFF  }
0x21: {  	[spmem:s1] =	stream.indirect.scatter.add.f32 [tilespmem:s11], [sflag:$0x1], $0x1, s19, s13, $0xb8;
	[tilespmem:$0x2D80] =	vst v63  }
0x22: {  	_ =	swait.ge [sflag:s10], $0x80  }
0x23: {  	s19 =	simm.s32 $0x200;
	[sflag:s10] =	ssyncset.done $0x0  }
.LBB2_2:
0x24: {  	s20 =	sshra.s32 s19, $0x2;
	[sflag:s10] =	ssyncadd.s32 $0xFFFFFF80;
	p0 =	sne.s32 s19, $0x9E00  }
0x25: {  	[spmem:s1] =	stream.indirect.scatter.add.f32 [tilespmem:s11], [sflag:$0x1], $0x1, s20, s13, $0xb8;
	[tilespmem:$0x2D80] =	vst v63  }
.Ltmp0:
0x26: {  	_ = 	snop;
	(pc) =	sbr.rel @p0 .LBB2_2-.Ltmp0, $4  }
0x27: {  	_ = 	snop  }
0x28: {  	s19 =	sadd.s32 $0x200, s19  }
0x29: {  	_ =	swait.ge [sflag:s10], $0x80  }
0x2a: {  	[sflag:s10] =	ssyncset.done $0x0  }
0x2b: {  	s18 =	sadd.s32 $0x1, s18  }
0x2c: {  	[sflag:s10] =	ssyncadd.s32 $0xFFFFFF80;
	p0 =	sne.s32 s18, s9  }
.Ltmp1:
0x2d: {  	[bflag:$0x0] =	sbarrier.arrive $0xFFFF;
	(pc) =	sbr.rel @p0 .LBB2_1-.Ltmp1, $4  }
0x2e: {  	[hbm:s8@s16], [sflag:s14] =	dma.strided [spmem:s15@s17], $0x50, s10, $0x10   }
0x2f: {  	_ =	swait.ge [sflag:s10], $0x50  }
0x30: {  	[sflag:s10] =	ssyncset.done $0x0  }
0x31: {  	[sflag:s10] =	ssyncadd.s32 $0xFFFFFFB0  }
0x32: {  	_ =	sfence.sel $0x180000  }
0x33: {  	[bflag:$0x0] =	sbarrier.arrive $0xFFFF  }
0x34: {  	p0 =	sne.s32 s2, $0x0;
	_ =	strace $0x90000047  }
0x35: {  	s0 =	sadd.s32 @!p0 $0x100000, s0;
	[bflag:$0x2] =	sbarrier.arrive $0xFFFF  }
0x36: {  	[sflag:s0] =	ssyncadd.tile.s32 @!p0 $0x1;
	_ =	shalt  }
.Lfunc_end2:
_tile_overlayer_lowered:
.L_overlay_start_2:
0x37: {  	(tag) =	ssettag $0x2  }
0x38: {  	s0 =	rddreg [dreg:$0x0];
	s2 =	stileid.u32  }
0x39: {  	s1 =	rddreg [dreg:$0x1];
	p0 =	sne.s32 s2, $0x0  }
0x3a: {  	s3 =	rddreg [dreg:$0x2];
	[bflag:$0x3] =	sbarrier.arrive $0xFFFF;
	s2 =	simm.s32 @!p0 $0x1C01  }
0x3b: {  	[timem:s3], [sflag:s2] =	dma.local @!p0 [hbm:s0], s1  }
0x3c: {  	s0 =	simm.s32 @!p0 $0x1  }
0x3d: {  	_ =	swait.ge @!p0 [sflag:s0], s1  }
0x3e: {  	s1 =	ssub.s32 @!p0 $0x0, s1;
	[sflag:s0] =	ssyncset.done @!p0 $0x0  }
0x3f: {  	[sflag:s0] =	ssyncadd.s32 @!p0 s1  }
0x40: {  	[bflag:$0x3] =	sbarrier.arrive $0xFFFF  }
0x41: {  	_ =	shalt  }

</sc_bundles>
